<compile_context>
chip_gen: v7x
topology: tpu7x:2x2x1
jax: 0.10.2.dev20260603
libtpu: 0.0.44.dev20260713+nightly
codegen_flags: <defaults>
</compile_context>

<pallas_src>
import functools

import jax
import jax.numpy as jnp
from jax import lax
from jax.experimental import pallas as pl
from jax.experimental.pallas import tpu as pltpu
from jax.experimental.pallas import tpu_sc as plsc

B = 16384
S = 200
D = 64
N_CORES = 2
N_SUBCORES = 16
NW = N_CORES * N_SUBCORES
C = 2
NBUF = 4
HALF = S // 2
NG = 2 * C
LANES = 16
DV = D // LANES


def _sc_pool(x1, table):
  rpw = B // NW
  steps = rpw // C
  mesh = plsc.VectorSubcoreMesh(core_axis_name="c", subcore_axis_name="s")

  @functools.partial(
      pl.kernel,
      mesh=mesh,
      out_type=jax.ShapeDtypeStruct((B, D), jnp.float32),
      compiler_params=pltpu.CompilerParams(use_tc_tiling_on_sc=False),
      scratch_types=(
          [pltpu.VMEM((NG * HALF,), jnp.int32) for _ in range(NBUF)] +
          [pltpu.VMEM((C * S, D), jnp.float32) for _ in range(NBUF)] +
          [pltpu.VMEM((C, D), jnp.float32)] +
          [pltpu.SemaphoreType.DMA for _ in range(2 * NBUF)]
      ),
  )
  def k(x1_hbm, table_hbm, out_hbm, *scr):
    idx = scr[:NBUF]
    rows = scr[NBUF:2 * NBUF]
    pool_v = scr[2 * NBUF]
    isem = scr[2 * NBUF + 1:2 * NBUF + 1 + NBUF]
    rsem = scr[2 * NBUF + 1 + NBUF:]
    cid = lax.axis_index("c")
    sid = lax.axis_index("s")
    wid = sid * N_CORES + cid
    base = wid * rpw

    def fire_gathers(nb):
      pltpu.async_copy(table_hbm.at[idx[nb]], rows[nb], rsem[nb])

    def drain_gathers(b):
      pltpu.make_async_copy(table_hbm.at[idx[b]], rows[b], rsem[b]).wait()

    def fire_idx(u, b):
      pltpu.async_copy(
          x1_hbm.at[pl.ds(S * (base + u * C), NG * HALF)], idx[b], isem[b])

    def drain_idx(b):
      pltpu.make_async_copy(
          x1_hbm.at[pl.ds(0, NG * HALF)], idx[b], isem[b]).wait()

    def compute(t, b):
      row0 = base + t * C
      for r in range(C):
        def body(i, accs, r=r, b=b):
          out = []
          for d in range(DV):
            a = accs[d]
            for u in range(4):
              a = jnp.maximum(
                  a, rows[b][r * S + i * 4 + u, pl.ds(d * LANES, LANES)])
            out.append(a)
          return tuple(out)
        neg = jnp.full((LANES,), -jnp.inf, jnp.float32)
        accs = lax.fori_loop(0, S // 4, body, (neg,) * DV)
        for d in range(DV):
          pool_v[r, pl.ds(d * LANES, LANES)] = accs[d]
      pltpu.sync_copy(pool_v, out_hbm.at[pl.ds(row0, C)])

    def phase(t, b):
      fb = (b + NBUF - 1) % NBUF

      @pl.when(t + NBUF - 1 < steps)
      def _():
        drain_idx(fb)
        fire_gathers(fb)

      drain_gathers(b)

      @pl.when(t + NBUF < steps)
      def _():
        fire_idx(t + NBUF, b)

      compute(t, b)

    pltpu.sync_copy(x1_hbm.at[pl.ds(S * base, NG * HALF)], idx[0])
    fire_gathers(0)
    for u in range(1, NBUF):
      fire_idx(u, u)
    for u in range(1, NBUF - 1):
      drain_idx(u)
      fire_gathers(u)

    def outer(i, carry):
      for p in range(NBUF):
        phase(NBUF * i + p, p)
      return carry

    lax.fori_loop(0, steps // NBUF, outer, 0)

  return k(x1, table)


def _matmul(pooled, W, b2):
  N = W.shape[0]
  M = pooled.shape[0]
  BM = 2048

  def mm(p_ref, w_ref, b_ref, o_ref):
    o_ref[...] = lax.dot_general(
        p_ref[...], w_ref[...], (((1,), (1,)), ((), ())),
        precision=lax.Precision.DEFAULT,
        preferred_element_type=jnp.float32) + b_ref[...]

  return pl.pallas_call(
      mm,
      grid=(M // BM,),
      in_specs=[
          pl.BlockSpec((BM, D), lambda i: (i, 0)),
          pl.BlockSpec((N, D), lambda i: (0, 0)),
          pl.BlockSpec((1, N), lambda i: (0, 0)),
      ],
      out_specs=pl.BlockSpec((BM, N), lambda i: (i, 0)),
      out_shape=jax.ShapeDtypeStruct((M, N), jnp.float32),
  )(pooled, W, b2)


def kernel(x, table, W, b):
  x1 = x.astype(jnp.int32).reshape(B * S)
  pooled = _sc_pool(x1, table)
  return _matmul(pooled, W, b.reshape(1, -1))

# --- scband reference (transcript-rebuilt; emitter-appended) ---
"""Pipeline reference for scband-model-24189255811156 (READ-ONLY COPY).

The authoritative reference and input builder live on the scoring server;
editing this copy changes nothing except your own understanding.
"""

import jax, jax.numpy as jnp
import numpy as np

BATCH = 16384
SEQ = 200
VOCAB = 1000000
EMBED = 64
N_BOOKS = 1000


def setup_inputs(seed: int = 0) -> dict:
    key = jax.random.key(seed)
    k1, k2, k3 = jax.random.split(key, 3)
    x = jax.random.randint(k1, (BATCH, SEQ), 0, VOCAB, dtype=jnp.int64) if jax.config.jax_enable_x64 else jax.random.randint(k1, (BATCH, SEQ), 0, VOCAB, dtype=jnp.int32)
    table = jax.random.normal(k2, (VOCAB, EMBED), dtype=jnp.float32)
    table = table.at[0].set(0.0)  # padding_idx=0
    kW, kb = jax.random.split(k3)
    limit = 1.0 / np.sqrt(EMBED)
    W = jax.random.uniform(kW, (N_BOOKS, EMBED), minval=-limit, maxval=limit, dtype=jnp.float32)
    b = jax.random.uniform(kb, (N_BOOKS,), minval=-limit, maxval=limit, dtype=jnp.float32)
    return {"x": x, "table": table, "W": W, "b": b}


def reference(x, table, W, b):
    # embedding lookup (padding row is zero)
    table = table.at[0].set(0.0)
    embeds = jnp.take(table, x, axis=0)            # [B, S, D]
    # MaxPool2d((input_len, 1), ceil_mode=True) over [B, S, D] with S == input_len -> [B, 1, D]
    pooled = jnp.max(embeds, axis=1, keepdims=True)  # [B, 1, D]
    out = jnp.einsum('bsd,nd->bsn', pooled, W) + b   # [B, 1, n_books]
    return jnp.squeeze(out, axis=1)                  # [B, n_books]

if __name__ == "__main__":
    import jax
    _d = setup_inputs()
    print(jax.jit(kernel)(*tuple(_d.values())))

</pallas_src>

<mosaic_0001>
#map = affine_map<(d0, d1) -> (0)>
#map1 = affine_map<(d0, d1) -> (0, 0)>
module attributes {stable_mosaic.version = 14 : i64} {
  func.func @k(%arg0: i32, %arg1: i32, %arg2: memref<3276800xi32, #tpu.memory_space<hbm>>, %arg3: memref<1000000x64xf32, #tpu.memory_space<hbm>>, %arg4: memref<16384x64xf32, #tpu.memory_space<hbm>>, %arg5: memref<400xi32, #tpu.memory_space<vmem>>, %arg6: memref<400xi32, #tpu.memory_space<vmem>>, %arg7: memref<400xi32, #tpu.memory_space<vmem>>, %arg8: memref<400xi32, #tpu.memory_space<vmem>>, %arg9: memref<400x64xf32, #tpu.memory_space<vmem>>, %arg10: memref<400x64xf32, #tpu.memory_space<vmem>>, %arg11: memref<400x64xf32, #tpu.memory_space<vmem>>, %arg12: memref<400x64xf32, #tpu.memory_space<vmem>>, %arg13: memref<2x64xf32, #tpu.memory_space<vmem>>, %arg14: memref<!tpu.dma_semaphore, #tpu.memory_space<semaphore_mem>>, %arg15: memref<!tpu.dma_semaphore, #tpu.memory_space<semaphore_mem>>, %arg16: memref<!tpu.dma_semaphore, #tpu.memory_space<semaphore_mem>>, %arg17: memref<!tpu.dma_semaphore, #tpu.memory_space<semaphore_mem>>, %arg18: memref<!tpu.dma_semaphore, #tpu.memory_space<semaphore_mem>>, %arg19: memref<!tpu.dma_semaphore, #tpu.memory_space<semaphore_mem>>, %arg20: memref<!tpu.dma_semaphore, #tpu.memory_space<semaphore_mem>>, %arg21: memref<!tpu.dma_semaphore, #tpu.memory_space<semaphore_mem>>) attributes {dimension_semantics = [#tpu.dimension_semantics<core_parallel>, #tpu.dimension_semantics<subcore_parallel>], iteration_bounds = array<i64: 2, 16>, scalar_prefetch = 0 : i64, scratch_operands = 17 : i64, tpu.core_type = #tpu.core_type<sc_vector_subcore>, window_params = [{transform_indices = #map}, {transform_indices = #map1}, {transform_indices = #map1}]} {
    %mul3A = arith.constant 2 : i32
    %mul3A_0 = arith.muli %arg1, %mul3A : i32
    %add3A = arith.addi %mul3A_0, %arg0 : i32
    %mul3A_1 = arith.constant 512 : i32
    %mul3A_2 = arith.muli %add3A, %mul3A_1 : i32
    %mul3A_3 = arith.constant 200 : i32
    %mul3A_4 = arith.muli %mul3A_3, %mul3A_2 : i32
    "tpu.region"() ({
      %run_scoped3A = tpu.sem_alloc : memref<!tpu.dma_semaphore, #tpu.memory_space<semaphore_mem>>
      %dma_start3A_43 = tpu.memref_slice %arg2[%mul3A_4] : memref<3276800xi32, #tpu.memory_space<hbm>> -> memref<400xi32, #tpu.memory_space<hbm>>
      %dma_start3A_44 = tpu.memref_slice %arg2[%mul3A_4] : memref<3276800xi32, #tpu.memory_space<hbm>> -> memref<400xi32, #tpu.memory_space<hbm>>
      tpu.enqueue_dma source(%dma_start3A_44 : memref<400xi32, #tpu.memory_space<hbm>>) target(%arg5 : memref<400xi32, #tpu.memory_space<vmem>>) target_semaphore(%run_scoped3A : memref<!tpu.dma_semaphore, #tpu.memory_space<semaphore_mem>>)
      %dma_wait3A_45 = tpu.memref_slice %arg2[%mul3A_4] : memref<3276800xi32, #tpu.memory_space<hbm>> -> memref<400xi32, #tpu.memory_space<hbm>>
      %dma_wait3A_46 = tpu.memref_slice %arg2[%mul3A_4] : memref<3276800xi32, #tpu.memory_space<hbm>> -> memref<400xi32, #tpu.memory_space<hbm>>
      tpu.wait_dma2 semaphore(%run_scoped3A : memref<!tpu.dma_semaphore, #tpu.memory_space<semaphore_mem>>) src(%dma_wait3A_46 : memref<400xi32, #tpu.memory_space<hbm>>) dst(%arg5 : memref<400xi32, #tpu.memory_space<vmem>>)
      tpu.yield
    }) : () -> ()
    %dma_start3A = arith.constant 0 : i32
    %dma_start3A_5 = arith.constant 0 : i32
    %dma_start3A_6 = tpu.memref_slice %arg3[%dma_start3A, %dma_start3A_5] : memref<1000000x64xf32, #tpu.memory_space<hbm>> -> memref<1000000x64xf32, #tpu.memory_space<hbm>>
    tpu.enqueue_indirect_dma source(%dma_start3A_6 : memref<1000000x64xf32, #tpu.memory_space<hbm>>) target(%arg9 : memref<400x64xf32, #tpu.memory_space<vmem>>) offsets(%arg5 : memref<400xi32, #tpu.memory_space<vmem>>) semaphore(%arg18 : memref<!tpu.dma_semaphore, #tpu.memory_space<semaphore_mem>>)
    %add3A_7 = arith.constant 2 : i32
    %add3A_8 = arith.addi %mul3A_2, %add3A_7 : i32
    %mul3A_9 = arith.constant 200 : i32
    %mul3A_10 = arith.muli %mul3A_9, %add3A_8 : i32
    %dma_start3A_11 = tpu.memref_slice %arg2[%mul3A_10] : memref<3276800xi32, #tpu.memory_space<hbm>> -> memref<400xi32, #tpu.memory_space<hbm>>
    %dma_start3A_12 = tpu.memref_slice %arg2[%mul3A_10] : memref<3276800xi32, #tpu.memory_space<hbm>> -> memref<400xi32, #tpu.memory_space<hbm>>
    tpu.enqueue_dma source(%dma_start3A_12 : memref<400xi32, #tpu.memory_space<hbm>>) target(%arg6 : memref<400xi32, #tpu.memory_space<vmem>>) target_semaphore(%arg15 : memref<!tpu.dma_semaphore, #tpu.memory_space<semaphore_mem>>)
    %add3A_13 = arith.constant 4 : i32
    %add3A_14 = arith.addi %mul3A_2, %add3A_13 : i32
    %mul3A_15 = arith.constant 200 : i32
    %mul3A_16 = arith.muli %mul3A_15, %add3A_14 : i32
    %dma_start3A_17 = tpu.memref_slice %arg2[%mul3A_16] : memref<3276800xi32, #tpu.memory_space<hbm>> -> memref<400xi32, #tpu.memory_space<hbm>>
    %dma_start3A_18 = tpu.memref_slice %arg2[%mul3A_16] : memref<3276800xi32, #tpu.memory_space<hbm>> -> memref<400xi32, #tpu.memory_space<hbm>>
    tpu.enqueue_dma source(%dma_start3A_18 : memref<400xi32, #tpu.memory_space<hbm>>) target(%arg7 : memref<400xi32, #tpu.memory_space<vmem>>) target_semaphore(%arg16 : memref<!tpu.dma_semaphore, #tpu.memory_space<semaphore_mem>>)
    %add3A_19 = arith.constant 6 : i32
    %add3A_20 = arith.addi %mul3A_2, %add3A_19 : i32
    %mul3A_21 = arith.constant 200 : i32
    %mul3A_22 = arith.muli %mul3A_21, %add3A_20 : i32
    %dma_start3A_23 = tpu.memref_slice %arg2[%mul3A_22] : memref<3276800xi32, #tpu.memory_space<hbm>> -> memref<400xi32, #tpu.memory_space<hbm>>
    %dma_start3A_24 = tpu.memref_slice %arg2[%mul3A_22] : memref<3276800xi32, #tpu.memory_space<hbm>> -> memref<400xi32, #tpu.memory_space<hbm>>
    tpu.enqueue_dma source(%dma_start3A_24 : memref<400xi32, #tpu.memory_space<hbm>>) target(%arg8 : memref<400xi32, #tpu.memory_space<vmem>>) target_semaphore(%arg17 : memref<!tpu.dma_semaphore, #tpu.memory_space<semaphore_mem>>)
    %dma_wait3A = arith.constant 0 : i32
    %dma_wait3A_25 = tpu.memref_slice %arg2[%dma_wait3A] : memref<3276800xi32, #tpu.memory_space<hbm>> -> memref<400xi32, #tpu.memory_space<hbm>>
    %dma_wait3A_26 = arith.constant 0 : i32
    %dma_wait3A_27 = tpu.memref_slice %arg2[%dma_wait3A_26] : memref<3276800xi32, #tpu.memory_space<hbm>> -> memref<400xi32, #tpu.memory_space<hbm>>
    tpu.wait_dma2 semaphore(%arg15 : memref<!tpu.dma_semaphore, #tpu.memory_space<semaphore_mem>>) src(%dma_wait3A_27 : memref<400xi32, #tpu.memory_space<hbm>>) dst(%arg6 : memref<400xi32, #tpu.memory_space<vmem>>)
    %dma_start3A_28 = arith.constant 0 : i32
    %dma_start3A_29 = arith.constant 0 : i32
    %dma_start3A_30 = tpu.memref_slice %arg3[%dma_start3A_28, %dma_start3A_29] : memref<1000000x64xf32, #tpu.memory_space<hbm>> -> memref<1000000x64xf32, #tpu.memory_space<hbm>>
    tpu.enqueue_indirect_dma source(%dma_start3A_30 : memref<1000000x64xf32, #tpu.memory_space<hbm>>) target(%arg10 : memref<400x64xf32, #tpu.memory_space<vmem>>) offsets(%arg6 : memref<400xi32, #tpu.memory_space<vmem>>) semaphore(%arg19 : memref<!tpu.dma_semaphore, #tpu.memory_space<semaphore_mem>>)
    %dma_wait3A_31 = arith.constant 0 : i32
    %dma_wait3A_32 = tpu.memref_slice %arg2[%dma_wait3A_31] : memref<3276800xi32, #tpu.memory_space<hbm>> -> memref<400xi32, #tpu.memory_space<hbm>>
    %dma_wait3A_33 = arith.constant 0 : i32
    %dma_wait3A_34 = tpu.memref_slice %arg2[%dma_wait3A_33] : memref<3276800xi32, #tpu.memory_space<hbm>> -> memref<400xi32, #tpu.memory_space<hbm>>
    tpu.wait_dma2 semaphore(%arg16 : memref<!tpu.dma_semaphore, #tpu.memory_space<semaphore_mem>>) src(%dma_wait3A_34 : memref<400xi32, #tpu.memory_space<hbm>>) dst(%arg7 : memref<400xi32, #tpu.memory_space<vmem>>)
    %dma_start3A_35 = arith.constant 0 : i32
    %dma_start3A_36 = arith.constant 0 : i32
    %dma_start3A_37 = tpu.memref_slice %arg3[%dma_start3A_35, %dma_start3A_36] : memref<1000000x64xf32, #tpu.memory_space<hbm>> -> memref<1000000x64xf32, #tpu.memory_space<hbm>>
    tpu.enqueue_indirect_dma source(%dma_start3A_37 : memref<1000000x64xf32, #tpu.memory_space<hbm>>) target(%arg11 : memref<400x64xf32, #tpu.memory_space<vmem>>) offsets(%arg7 : memref<400xi32, #tpu.memory_space<vmem>>) semaphore(%arg20 : memref<!tpu.dma_semaphore, #tpu.memory_space<semaphore_mem>>)
    %scan3A = arith.constant 0 : i32
    %scan3A_38 = arith.constant 0 : i32
    %scan3A_39 = arith.constant 64 : i32
    %scan3A_40 = arith.addi %scan3A_38, %scan3A_39 : i32
    %scan3A_41 = arith.constant 1 : i32
    scf.for %scan3A_43 = %scan3A_38 to %scan3A_40 step %scan3A_41  : i32 {
      %mul3A_44 = arith.constant 4 : i32
      %mul3A_45 = arith.muli %mul3A_44, %scan3A_43 : i32
      %add3A_46 = arith.constant 0 : i32
      %add3A_47 = arith.addi %mul3A_45, %add3A_46 : i32
      %add3A_48 = arith.constant 4 : i32
      %add3A_49 = arith.addi %add3A_47, %add3A_48 : i32
      %sub3A = arith.constant 1 : i32
      %sub3A_50 = arith.subi %add3A_49, %sub3A : i32
      %lt3A = arith.constant 256 : i32
      %lt3A_51 = arith.cmpi slt, %sub3A_50, %lt3A : i32
      %convert_element_type3A = arith.extui %lt3A_51 : i1 to i32
      %cond3A = arith.constant 0 : i32
      %cond3A_52 = arith.cmpi ne, %convert_element_type3A, %cond3A : i32
      scf.if %cond3A_52 {
        %dma_wait3A_398 = arith.constant 0 : i32
        %dma_wait3A_399 = tpu.memref_slice %arg2[%dma_wait3A_398] : memref<3276800xi32, #tpu.memory_space<hbm>> -> memref<400xi32, #tpu.memory_space<hbm>>
        %dma_wait3A_400 = arith.constant 0 : i32
        %dma_wait3A_401 = tpu.memref_slice %arg2[%dma_wait3A_400] : memref<3276800xi32, #tpu.memory_space<hbm>> -> memref<400xi32, #tpu.memory_space<hbm>>
        tpu.wait_dma2 semaphore(%arg17 : memref<!tpu.dma_semaphore, #tpu.memory_space<semaphore_mem>>) src(%dma_wait3A_401 : memref<400xi32, #tpu.memory_space<hbm>>) dst(%arg8 : memref<400xi32, #tpu.memory_space<vmem>>)
        %dma_start3A_402 = arith.constant 0 : i32
        %dma_start3A_403 = arith.constant 0 : i32
        %dma_start3A_404 = tpu.memref_slice %arg3[%dma_start3A_402, %dma_start3A_403] : memref<1000000x64xf32, #tpu.memory_space<hbm>> -> memref<1000000x64xf32, #tpu.memory_space<hbm>>
        tpu.enqueue_indirect_dma source(%dma_start3A_404 : memref<1000000x64xf32, #tpu.memory_space<hbm>>) target(%arg12 : memref<400x64xf32, #tpu.memory_space<vmem>>) offsets(%arg8 : memref<400xi32, #tpu.memory_space<vmem>>) semaphore(%arg21 : memref<!tpu.dma_semaphore, #tpu.memory_space<semaphore_mem>>)
      } else {
      }
      %dma_wait3A_53 = arith.constant 0 : i32
      %dma_wait3A_54 = arith.constant 0 : i32
      %dma_wait3A_55 = tpu.memref_slice %arg3[%dma_wait3A_53, %dma_wait3A_54] : memref<1000000x64xf32, #tpu.memory_space<hbm>> -> memref<1000000x64xf32, #tpu.memory_space<hbm>>
      tpu.wait_indirect_dma semaphore(%arg18 : memref<!tpu.dma_semaphore, #tpu.memory_space<semaphore_mem>>) src(%dma_wait3A_55 : memref<1000000x64xf32, #tpu.memory_space<hbm>>) dst(%arg9 : memref<400x64xf32, #tpu.memory_space<vmem>>)
      %add3A_56 = arith.constant 4 : i32
      %add3A_57 = arith.addi %add3A_47, %add3A_56 : i32
      %lt3A_58 = arith.constant 256 : i32
      %lt3A_59 = arith.cmpi slt, %add3A_57, %lt3A_58 : i32
      %convert_element_type3A_60 = arith.extui %lt3A_59 : i1 to i32
      %cond3A_61 = arith.constant 0 : i32
      %cond3A_62 = arith.cmpi ne, %convert_element_type3A_60, %cond3A_61 : i32
      scf.if %cond3A_62 {
        %add3A_398 = arith.constant 4 : i32
        %add3A_399 = arith.addi %add3A_47, %add3A_398 : i32
        %mul3A_400 = arith.constant 2 : i32
        %mul3A_401 = arith.muli %add3A_399, %mul3A_400 : i32
        %add3A_402 = arith.addi %mul3A_2, %mul3A_401 : i32
        %mul3A_403 = arith.constant 200 : i32
        %mul3A_404 = arith.muli %mul3A_403, %add3A_402 : i32
        %dma_start3A_405 = tpu.memref_slice %arg2[%mul3A_404] : memref<3276800xi32, #tpu.memory_space<hbm>> -> memref<400xi32, #tpu.memory_space<hbm>>
        %dma_start3A_406 = tpu.memref_slice %arg2[%mul3A_404] : memref<3276800xi32, #tpu.memory_space<hbm>> -> memref<400xi32, #tpu.memory_space<hbm>>
        tpu.enqueue_dma source(%dma_start3A_406 : memref<400xi32, #tpu.memory_space<hbm>>) target(%arg5 : memref<400xi32, #tpu.memory_space<vmem>>) target_semaphore(%arg14 : memref<!tpu.dma_semaphore, #tpu.memory_space<semaphore_mem>>)
      } else {
      }
      %mul3A_63 = arith.constant 2 : i32
      %mul3A_64 = arith.muli %add3A_47, %mul3A_63 : i32
      %add3A_65 = arith.addi %mul3A_2, %mul3A_64 : i32
      %broadcast_in_dim3A = arith.constant 0xFF800000 : f32
      %broadcast_in_dim3A_66 = vector.broadcast %broadcast_in_dim3A : f32 to vector<16xf32>
      %scan3A_67 = arith.constant 0 : i32
      %scan3A_68 = arith.constant 50 : i32
      %scan3A_69 = arith.addi %scan3A_67, %scan3A_68 : i32
      %scan3A_70 = arith.constant 1 : i32
      %scan3A_71:4 = scf.for %scan3A_398 = %scan3A_67 to %scan3A_69 step %scan3A_70 iter_args(%scan3A_399 = %broadcast_in_dim3A_66, %scan3A_400 = %broadcast_in_dim3A_66, %scan3A_401 = %broadcast_in_dim3A_66, %scan3A_402 = %broadcast_in_dim3A_66) -> (vector<16xf32>, vector<16xf32>, vector<16xf32>, vector<16xf32>)  : i32 {
        %mul3A_403 = arith.constant 4 : i32
        %mul3A_404 = arith.muli %scan3A_398, %mul3A_403 : i32
        %add3A_405 = arith.constant 0 : i32
        %add3A_406 = arith.addi %add3A_405, %mul3A_404 : i32
        %add3A_407 = arith.constant 0 : i32
        %add3A_408 = arith.addi %add3A_406, %add3A_407 : i32
        %get3A = arith.index_cast %add3A_408 : i32 to index
        %get3A_409 = arith.constant 0 : index
        %get3A_410 = tpu.vector_load %arg9[%get3A, %get3A_409] {strides = array<i32>} : memref<400x64xf32, #tpu.memory_space<vmem>>, vector<1x16xf32>,
        %get3A_411 = vector.shape_cast %get3A_410 : vector<1x16xf32> to vector<16xf32>
        %max3A = arith.maximumf %scan3A_399, %get3A_411 : vector<16xf32>
        %mul3A_412 = arith.constant 4 : i32
        %mul3A_413 = arith.muli %scan3A_398, %mul3A_412 : i32
        %add3A_414 = arith.constant 0 : i32
        %add3A_415 = arith.addi %add3A_414, %mul3A_413 : i32
        %add3A_416 = arith.constant 1 : i32
        %add3A_417 = arith.addi %add3A_415, %add3A_416 : i32
        %get3A_418 = arith.index_cast %add3A_417 : i32 to index
        %get3A_419 = arith.constant 0 : index
        %get3A_420 = tpu.vector_load %arg9[%get3A_418, %get3A_419] {strides = array<i32>} : memref<400x64xf32, #tpu.memory_space<vmem>>, vector<1x16xf32>,
        %get3A_421 = vector.shape_cast %get3A_420 : vector<1x16xf32> to vector<16xf32>
        %max3A_422 = arith.maximumf %max3A, %get3A_421 : vector<16xf32>
        %mul3A_423 = arith.constant 4 : i32
        %mul3A_424 = arith.muli %scan3A_398, %mul3A_423 : i32
        %add3A_425 = arith.constant 0 : i32
        %add3A_426 = arith.addi %add3A_425, %mul3A_424 : i32
        %add3A_427 = arith.constant 2 : i32
        %add3A_428 = arith.addi %add3A_426, %add3A_427 : i32
        %get3A_429 = arith.index_cast %add3A_428 : i32 to index
        %get3A_430 = arith.constant 0 : index
        %get3A_431 = tpu.vector_load %arg9[%get3A_429, %get3A_430] {strides = array<i32>} : memref<400x64xf32, #tpu.memory_space<vmem>>, vector<1x16xf32>,
        %get3A_432 = vector.shape_cast %get3A_431 : vector<1x16xf32> to vector<16xf32>
        %max3A_433 = arith.maximumf %max3A_422, %get3A_432 : vector<16xf32>
        %mul3A_434 = arith.constant 4 : i32
        %mul3A_435 = arith.muli %scan3A_398, %mul3A_434 : i32
        %add3A_436 = arith.constant 0 : i32
        %add3A_437 = arith.addi %add3A_436, %mul3A_435 : i32
        %add3A_438 = arith.constant 3 : i32
        %add3A_439 = arith.addi %add3A_437, %add3A_438 : i32
        %get3A_440 = arith.index_cast %add3A_439 : i32 to index
        %get3A_441 = arith.constant 0 : index
        %get3A_442 = tpu.vector_load %arg9[%get3A_440, %get3A_441] {strides = array<i32>} : memref<400x64xf32, #tpu.memory_space<vmem>>, vector<1x16xf32>,
        %get3A_443 = vector.shape_cast %get3A_442 : vector<1x16xf32> to vector<16xf32>
        %max3A_444 = arith.maximumf %max3A_433, %get3A_443 : vector<16xf32>
        %mul3A_445 = arith.constant 4 : i32
        %mul3A_446 = arith.muli %scan3A_398, %mul3A_445 : i32
        %add3A_447 = arith.constant 0 : i32
        %add3A_448 = arith.addi %add3A_447, %mul3A_446 : i32
        %add3A_449 = arith.constant 0 : i32
        %add3A_450 = arith.addi %add3A_448, %add3A_449 : i32
        %get3A_451 = arith.index_cast %add3A_450 : i32 to index
        %get3A_452 = arith.constant 16 : index
        %get3A_453 = tpu.vector_load %arg9[%get3A_451, %get3A_452] {strides = array<i32>} : memref<400x64xf32, #tpu.memory_space<vmem>>, vector<1x16xf32>,
        %get3A_454 = vector.shape_cast %get3A_453 : vector<1x16xf32> to vector<16xf32>
        %max3A_455 = arith.maximumf %scan3A_400, %get3A_454 : vector<16xf32>
        %mul3A_456 = arith.constant 4 : i32
        %mul3A_457 = arith.muli %scan3A_398, %mul3A_456 : i32
        %add3A_458 = arith.constant 0 : i32
        %add3A_459 = arith.addi %add3A_458, %mul3A_457 : i32
        %add3A_460 = arith.constant 1 : i32
        %add3A_461 = arith.addi %add3A_459, %add3A_460 : i32
        %get3A_462 = arith.index_cast %add3A_461 : i32 to index
        %get3A_463 = arith.constant 16 : index
        %get3A_464 = tpu.vector_load %arg9[%get3A_462, %get3A_463] {strides = array<i32>} : memref<400x64xf32, #tpu.memory_space<vmem>>, vector<1x16xf32>,
        %get3A_465 = vector.shape_cast %get3A_464 : vector<1x16xf32> to vector<16xf32>
        %max3A_466 = arith.maximumf %max3A_455, %get3A_465 : vector<16xf32>
        %mul3A_467 = arith.constant 4 : i32
        %mul3A_468 = arith.muli %scan3A_398, %mul3A_467 : i32
        %add3A_469 = arith.constant 0 : i32
        %add3A_470 = arith.addi %add3A_469, %mul3A_468 : i32
        %add3A_471 = arith.constant 2 : i32
        %add3A_472 = arith.addi %add3A_470, %add3A_471 : i32
        %get3A_473 = arith.index_cast %add3A_472 : i32 to index
        %get3A_474 = arith.constant 16 : index
        %get3A_475 = tpu.vector_load %arg9[%get3A_473, %get3A_474] {strides = array<i32>} : memref<400x64xf32, #tpu.memory_space<vmem>>, vector<1x16xf32>,
        %get3A_476 = vector.shape_cast %get3A_475 : vector<1x16xf32> to vector<16xf32>
        %max3A_477 = arith.maximumf %max3A_466, %get3A_476 : vector<16xf32>
        %mul3A_478 = arith.constant 4 : i32
        %mul3A_479 = arith.muli %scan3A_398, %mul3A_478 : i32
        %add3A_480 = arith.constant 0 : i32
        %add3A_481 = arith.addi %add3A_480, %mul3A_479 : i32
        %add3A_482 = arith.constant 3 : i32
        %add3A_483 = arith.addi %add3A_481, %add3A_482 : i32
        %get3A_484 = arith.index_cast %add3A_483 : i32 to index
        %get3A_485 = arith.constant 16 : index
        %get3A_486 = tpu.vector_load %arg9[%get3A_484, %get3A_485] {strides = array<i32>} : memref<400x64xf32, #tpu.memory_space<vmem>>, vector<1x16xf32>,
        %get3A_487 = vector.shape_cast %get3A_486 : vector<1x16xf32> to vector<16xf32>
        %max3A_488 = arith.maximumf %max3A_477, %get3A_487 : vector<16xf32>
        %mul3A_489 = arith.constant 4 : i32
        %mul3A_490 = arith.muli %scan3A_398, %mul3A_489 : i32
        %add3A_491 = arith.constant 0 : i32
        %add3A_492 = arith.addi %add3A_491, %mul3A_490 : i32
        %add3A_493 = arith.constant 0 : i32
        %add3A_494 = arith.addi %add3A_492, %add3A_493 : i32
        %get3A_495 = arith.index_cast %add3A_494 : i32 to index
        %get3A_496 = arith.constant 32 : index
        %get3A_497 = tpu.vector_load %arg9[%get3A_495, %get3A_496] {strides = array<i32>} : memref<400x64xf32, #tpu.memory_space<vmem>>, vector<1x16xf32>,
        %get3A_498 = vector.shape_cast %get3A_497 : vector<1x16xf32> to vector<16xf32>
        %max3A_499 = arith.maximumf %scan3A_401, %get3A_498 : vector<16xf32>
        %mul3A_500 = arith.constant 4 : i32
        %mul3A_501 = arith.muli %scan3A_398, %mul3A_500 : i32
        %add3A_502 = arith.constant 0 : i32
        %add3A_503 = arith.addi %add3A_502, %mul3A_501 : i32
        %add3A_504 = arith.constant 1 : i32
        %add3A_505 = arith.addi %add3A_503, %add3A_504 : i32
        %get3A_506 = arith.index_cast %add3A_505 : i32 to index
        %get3A_507 = arith.constant 32 : index
        %get3A_508 = tpu.vector_load %arg9[%get3A_506, %get3A_507] {strides = array<i32>} : memref<400x64xf32, #tpu.memory_space<vmem>>, vector<1x16xf32>,
        %get3A_509 = vector.shape_cast %get3A_508 : vector<1x16xf32> to vector<16xf32>
        %max3A_510 = arith.maximumf %max3A_499, %get3A_509 : vector<16xf32>
        %mul3A_511 = arith.constant 4 : i32
        %mul3A_512 = arith.muli %scan3A_398, %mul3A_511 : i32
        %add3A_513 = arith.constant 0 : i32
        %add3A_514 = arith.addi %add3A_513, %mul3A_512 : i32
        %add3A_515 = arith.constant 2 : i32
        %add3A_516 = arith.addi %add3A_514, %add3A_515 : i32
        %get3A_517 = arith.index_cast %add3A_516 : i32 to index
        %get3A_518 = arith.constant 32 : index
        %get3A_519 = tpu.vector_load %arg9[%get3A_517, %get3A_518] {strides = array<i32>} : memref<400x64xf32, #tpu.memory_space<vmem>>, vector<1x16xf32>,
        %get3A_520 = vector.shape_cast %get3A_519 : vector<1x16xf32> to vector<16xf32>
        %max3A_521 = arith.maximumf %max3A_510, %get3A_520 : vector<16xf32>
        %mul3A_522 = arith.constant 4 : i32
        %mul3A_523 = arith.muli %scan3A_398, %mul3A_522 : i32
        %add3A_524 = arith.constant 0 : i32
        %add3A_525 = arith.addi %add3A_524, %mul3A_523 : i32
        %add3A_526 = arith.constant 3 : i32
        %add3A_527 = arith.addi %add3A_525, %add3A_526 : i32
        %get3A_528 = arith.index_cast %add3A_527 : i32 to index
        %get3A_529 = arith.constant 32 : index
        %get3A_530 = tpu.vector_load %arg9[%get3A_528, %get3A_529] {strides = array<i32>} : memref<400x64xf32, #tpu.memory_space<vmem>>, vector<1x16xf32>,
        %get3A_531 = vector.shape_cast %get3A_530 : vector<1x16xf32> to vector<16xf32>
        %max3A_532 = arith.maximumf %max3A_521, %get3A_531 : vector<16xf32>
        %mul3A_533 = arith.constant 4 : i32
        %mul3A_534 = arith.muli %scan3A_398, %mul3A_533 : i32
        %add3A_535 = arith.constant 0 : i32
        %add3A_536 = arith.addi %add3A_535, %mul3A_534 : i32
        %add3A_537 = arith.constant 0 : i32
        %add3A_538 = arith.addi %add3A_536, %add3A_537 : i32
        %get3A_539 = arith.index_cast %add3A_538 : i32 to index
        %get3A_540 = arith.constant 48 : index
        %get3A_541 = tpu.vector_load %arg9[%get3A_539, %get3A_540] {strides = array<i32>} : memref<400x64xf32, #tpu.memory_space<vmem>>, vector<1x16xf32>,
        %get3A_542 = vector.shape_cast %get3A_541 : vector<1x16xf32> to vector<16xf32>
        %max3A_543 = arith.maximumf %scan3A_402, %get3A_542 : vector<16xf32>
        %mul3A_544 = arith.constant 4 : i32
        %mul3A_545 = arith.muli %scan3A_398, %mul3A_544 : i32
        %add3A_546 = arith.constant 0 : i32
        %add3A_547 = arith.addi %add3A_546, %mul3A_545 : i32
        %add3A_548 = arith.constant 1 : i32
        %add3A_549 = arith.addi %add3A_547, %add3A_548 : i32
        %get3A_550 = arith.index_cast %add3A_549 : i32 to index
        %get3A_551 = arith.constant 48 : index
        %get3A_552 = tpu.vector_load %arg9[%get3A_550, %get3A_551] {strides = array<i32>} : memref<400x64xf32, #tpu.memory_space<vmem>>, vector<1x16xf32>,
        %get3A_553 = vector.shape_cast %get3A_552 : vector<1x16xf32> to vector<16xf32>
        %max3A_554 = arith.maximumf %max3A_543, %get3A_553 : vector<16xf32>
        %mul3A_555 = arith.constant 4 : i32
        %mul3A_556 = arith.muli %scan3A_398, %mul3A_555 : i32
        %add3A_557 = arith.constant 0 : i32
        %add3A_558 = arith.addi %add3A_557, %mul3A_556 : i32
        %add3A_559 = arith.constant 2 : i32
        %add3A_560 = arith.addi %add3A_558, %add3A_559 : i32
        %get3A_561 = arith.index_cast %add3A_560 : i32 to index
        %get3A_562 = arith.constant 48 : index
        %get3A_563 = tpu.vector_load %arg9[%get3A_561, %get3A_562] {strides = array<i32>} : memref<400x64xf32, #tpu.memory_space<vmem>>, vector<1x16xf32>,
        %get3A_564 = vector.shape_cast %get3A_563 : vector<1x16xf32> to vector<16xf32>
        %max3A_565 = arith.maximumf %max3A_554, %get3A_564 : vector<16xf32>
        %mul3A_566 = arith.constant 4 : i32
        %mul3A_567 = arith.muli %scan3A_398, %mul3A_566 : i32
        %add3A_568 = arith.constant 0 : i32
        %add3A_569 = arith.addi %add3A_568, %mul3A_567 : i32
        %add3A_570 = arith.constant 3 : i32
        %add3A_571 = arith.addi %add3A_569, %add3A_570 : i32
        %get3A_572 = arith.index_cast %add3A_571 : i32 to index
        %get3A_573 = arith.constant 48 : index
        %get3A_574 = tpu.vector_load %arg9[%get3A_572, %get3A_573] {strides = array<i32>} : memref<400x64xf32, #tpu.memory_space<vmem>>, vector<1x16xf32>,
        %get3A_575 = vector.shape_cast %get3A_574 : vector<1x16xf32> to vector<16xf32>
        %max3A_576 = arith.maximumf %max3A_565, %get3A_575 : vector<16xf32>
        scf.yield %max3A_444, %max3A_488, %max3A_532, %max3A_576 : vector<16xf32>, vector<16xf32>, vector<16xf32>, vector<16xf32>
      }
      %scan3A_72 = arith.constant 50 : i32
      %swap3A = arith.constant 0 : i32
      %swap3A_73 = arith.index_cast %swap3A : i32 to index
      %swap3A_74 = arith.constant 0 : index
      %swap3A_75 = tpu.vector_load %arg13[%swap3A_73, %swap3A_74] {strides = array<i32>} : memref<2x64xf32, #tpu.memory_space<vmem>>, vector<1x16xf32>,
      %swap3A_76 = vector.shape_cast %swap3A_75 : vector<1x16xf32> to vector<16xf32>
      %swap3A_77 = vector.shape_cast %scan3A_71#0 : vector<16xf32> to vector<1x16xf32>
      tpu.vector_store %arg13[%swap3A_73, %swap3A_74], %swap3A_77 {strides = array<i32>} : memref<2x64xf32, #tpu.memory_space<vmem>>, vector<1x16xf32>,
      %swap3A_78 = arith.constant 0 : i32
      %swap3A_79 = arith.index_cast %swap3A_78 : i32 to index
      %swap3A_80 = arith.constant 16 : index
      %swap3A_81 = tpu.vector_load %arg13[%swap3A_79, %swap3A_80] {strides = array<i32>} : memref<2x64xf32, #tpu.memory_space<vmem>>, vector<1x16xf32>,
      %swap3A_82 = vector.shape_cast %swap3A_81 : vector<1x16xf32> to vector<16xf32>
      %swap3A_83 = vector.shape_cast %scan3A_71#1 : vector<16xf32> to vector<1x16xf32>
      tpu.vector_store %arg13[%swap3A_79, %swap3A_80], %swap3A_83 {strides = array<i32>} : memref<2x64xf32, #tpu.memory_space<vmem>>, vector<1x16xf32>,
      %swap3A_84 = arith.constant 0 : i32
      %swap3A_85 = arith.index_cast %swap3A_84 : i32 to index
      %swap3A_86 = arith.constant 32 : index
      %swap3A_87 = tpu.vector_load %arg13[%swap3A_85, %swap3A_86] {strides = array<i32>} : memref<2x64xf32, #tpu.memory_space<vmem>>, vector<1x16xf32>,
      %swap3A_88 = vector.shape_cast %swap3A_87 : vector<1x16xf32> to vector<16xf32>
      %swap3A_89 = vector.shape_cast %scan3A_71#2 : vector<16xf32> to vector<1x16xf32>
      tpu.vector_store %arg13[%swap3A_85, %swap3A_86], %swap3A_89 {strides = array<i32>} : memref<2x64xf32, #tpu.memory_space<vmem>>, vector<1x16xf32>,
      %swap3A_90 = arith.constant 0 : i32
      %swap3A_91 = arith.index_cast %swap3A_90 : i32 to index
      %swap3A_92 = arith.constant 48 : index
      %swap3A_93 = tpu.vector_load %arg13[%swap3A_91, %swap3A_92] {strides = array<i32>} : memref<2x64xf32, #tpu.memory_space<vmem>>, vector<1x16xf32>,
      %swap3A_94 = vector.shape_cast %swap3A_93 : vector<1x16xf32> to vector<16xf32>
      %swap3A_95 = vector.shape_cast %scan3A_71#3 : vector<16xf32> to vector<1x16xf32>
      tpu.vector_store %arg13[%swap3A_91, %swap3A_92], %swap3A_95 {strides = array<i32>} : memref<2x64xf32, #tpu.memory_space<vmem>>, vector<1x16xf32>,
      %broadcast_in_dim3A_96 = arith.constant 0xFF800000 : f32
      %broadcast_in_dim3A_97 = vector.broadcast %broadcast_in_dim3A_96 : f32 to vector<16xf32>
      %scan3A_98 = arith.constant 0 : i32
      %scan3A_99 = arith.constant 50 : i32
      %scan3A_100 = arith.addi %scan3A_98, %scan3A_99 : i32
      %scan3A_101 = arith.constant 1 : i32
      %scan3A_102:4 = scf.for %scan3A_398 = %scan3A_98 to %scan3A_100 step %scan3A_101 iter_args(%scan3A_399 = %broadcast_in_dim3A_97, %scan3A_400 = %broadcast_in_dim3A_97, %scan3A_401 = %broadcast_in_dim3A_97, %scan3A_402 = %broadcast_in_dim3A_97) -> (vector<16xf32>, vector<16xf32>, vector<16xf32>, vector<16xf32>)  : i32 {
        %mul3A_403 = arith.constant 4 : i32
        %mul3A_404 = arith.muli %scan3A_398, %mul3A_403 : i32
        %add3A_405 = arith.constant 200 : i32
        %add3A_406 = arith.addi %add3A_405, %mul3A_404 : i32
        %add3A_407 = arith.constant 0 : i32
        %add3A_408 = arith.addi %add3A_406, %add3A_407 : i32
        %get3A = arith.index_cast %add3A_408 : i32 to index
        %get3A_409 = arith.constant 0 : index
        %get3A_410 = tpu.vector_load %arg9[%get3A, %get3A_409] {strides = array<i32>} : memref<400x64xf32, #tpu.memory_space<vmem>>, vector<1x16xf32>,
        %get3A_411 = vector.shape_cast %get3A_410 : vector<1x16xf32> to vector<16xf32>
        %max3A = arith.maximumf %scan3A_399, %get3A_411 : vector<16xf32>
        %mul3A_412 = arith.constant 4 : i32
        %mul3A_413 = arith.muli %scan3A_398, %mul3A_412 : i32
        %add3A_414 = arith.constant 200 : i32
        %add3A_415 = arith.addi %add3A_414, %mul3A_413 : i32
        %add3A_416 = arith.constant 1 : i32
        %add3A_417 = arith.addi %add3A_415, %add3A_416 : i32
        %get3A_418 = arith.index_cast %add3A_417 : i32 to index
        %get3A_419 = arith.constant 0 : index
        %get3A_420 = tpu.vector_load %arg9[%get3A_418, %get3A_419] {strides = array<i32>} : memref<400x64xf32, #tpu.memory_space<vmem>>, vector<1x16xf32>,
        %get3A_421 = vector.shape_cast %get3A_420 : vector<1x16xf32> to vector<16xf32>
        %max3A_422 = arith.maximumf %max3A, %get3A_421 : vector<16xf32>
        %mul3A_423 = arith.constant 4 : i32
        %mul3A_424 = arith.muli %scan3A_398, %mul3A_423 : i32
        %add3A_425 = arith.constant 200 : i32
        %add3A_426 = arith.addi %add3A_425, %mul3A_424 : i32
        %add3A_427 = arith.constant 2 : i32
        %add3A_428 = arith.addi %add3A_426, %add3A_427 : i32
        %get3A_429 = arith.index_cast %add3A_428 : i32 to index
        %get3A_430 = arith.constant 0 : index
        %get3A_431 = tpu.vector_load %arg9[%get3A_429, %get3A_430] {strides = array<i32>} : memref<400x64xf32, #tpu.memory_space<vmem>>, vector<1x16xf32>,
        %get3A_432 = vector.shape_cast %get3A_431 : vector<1x16xf32> to vector<16xf32>
        %max3A_433 = arith.maximumf %max3A_422, %get3A_432 : vector<16xf32>
        %mul3A_434 = arith.constant 4 : i32
        %mul3A_435 = arith.muli %scan3A_398, %mul3A_434 : i32
        %add3A_436 = arith.constant 200 : i32
        %add3A_437 = arith.addi %add3A_436, %mul3A_435 : i32
        %add3A_438 = arith.constant 3 : i32
        %add3A_439 = arith.addi %add3A_437, %add3A_438 : i32
        %get3A_440 = arith.index_cast %add3A_439 : i32 to index
        %get3A_441 = arith.constant 0 : index
        %get3A_442 = tpu.vector_load %arg9[%get3A_440, %get3A_441] {strides = array<i32>} : memref<400x64xf32, #tpu.memory_space<vmem>>, vector<1x16xf32>,
        %get3A_443 = vector.shape_cast %get3A_442 : vector<1x16xf32> to vector<16xf32>
        %max3A_444 = arith.maximumf %max3A_433, %get3A_443 : vector<16xf32>
        %mul3A_445 = arith.constant 4 : i32
        %mul3A_446 = arith.muli %scan3A_398, %mul3A_445 : i32
        %add3A_447 = arith.constant 200 : i32
        %add3A_448 = arith.addi %add3A_447, %mul3A_446 : i32
        %add3A_449 = arith.constant 0 : i32
        %add3A_450 = arith.addi %add3A_448, %add3A_449 : i32
        %get3A_451 = arith.index_cast %add3A_450 : i32 to index
        %get3A_452 = arith.constant 16 : index
        %get3A_453 = tpu.vector_load %arg9[%get3A_451, %get3A_452] {strides = array<i32>} : memref<400x64xf32, #tpu.memory_space<vmem>>, vector<1x16xf32>,
        %get3A_454 = vector.shape_cast %get3A_453 : vector<1x16xf32> to vector<16xf32>
        %max3A_455 = arith.maximumf %scan3A_400, %get3A_454 : vector<16xf32>
        %mul3A_456 = arith.constant 4 : i32
        %mul3A_457 = arith.muli %scan3A_398, %mul3A_456 : i32
        %add3A_458 = arith.constant 200 : i32
        %add3A_459 = arith.addi %add3A_458, %mul3A_457 : i32
        %add3A_460 = arith.constant 1 : i32
        %add3A_461 = arith.addi %add3A_459, %add3A_460 : i32
        %get3A_462 = arith.index_cast %add3A_461 : i32 to index
        %get3A_463 = arith.constant 16 : index
        %get3A_464 = tpu.vector_load %arg9[%get3A_462, %get3A_463] {strides = array<i32>} : memref<400x64xf32, #tpu.memory_space<vmem>>, vector<1x16xf32>,
        %get3A_465 = vector.shape_cast %get3A_464 : vector<1x16xf32> to vector<16xf32>
        %max3A_466 = arith.maximumf %max3A_455, %get3A_465 : vector<16xf32>
        %mul3A_467 = arith.constant 4 : i32
        %mul3A_468 = arith.muli %scan3A_398, %mul3A_467 : i32
        %add3A_469 = arith.constant 200 : i32
        %add3A_470 = arith.addi %add3A_469, %mul3A_468 : i32
        %add3A_471 = arith.constant 2 : i32
        %add3A_472 = arith.addi %add3A_470, %add3A_471 : i32
        %get3A_473 = arith.index_cast %add3A_472 : i32 to index
        %get3A_474 = arith.constant 16 : index
        %get3A_475 = tpu.vector_load %arg9[%get3A_473, %get3A_474] {strides = array<i32>} : memref<400x64xf32, #tpu.memory_space<vmem>>, vector<1x16xf32>,
        %get3A_476 = vector.shape_cast %get3A_475 : vector<1x16xf32> to vector<16xf32>
        %max3A_477 = arith.maximumf %max3A_466, %get3A_476 : vector<16xf32>
        %mul3A_478 = arith.constant 4 : i32
        %mul3A_479 = arith.muli %scan3A_398, %mul3A_478 : i32
        %add3A_480 = arith.constant 200 : i32
        %add3A_481 = arith.addi %add3A_480, %mul3A_479 : i32
        %add3A_482 = arith.constant 3 : i32
        %add3A_483 = arith.addi %add3A_481, %add3A_482 : i32
        %get3A_484 = arith.index_cast %add3A_483 : i32 to index
        %get3A_485 = arith.constant 16 : index
        %get3A_486 = tpu.vector_load %arg9[%get3A_484, %get3A_485] {strides = array<i32>} : memref<400x64xf32, #tpu.memory_space<vmem>>, vector<1x16xf32>,
        %get3A_487 = vector.shape_cast %get3A_486 : vector<1x16xf32> to vector<16xf32>
        %max3A_488 = arith.maximumf %max3A_477, %get3A_487 : vector<16xf32>
        %mul3A_489 = arith.constant 4 : i32
        %mul3A_490 = arith.muli %scan3A_398, %mul3A_489 : i32
        %add3A_491 = arith.constant 200 : i32
        %add3A_492 = arith.addi %add3A_491, %mul3A_490 : i32
        %add3A_493 = arith.constant 0 : i32
        %add3A_494 = arith.addi %add3A_492, %add3A_493 : i32
        %get3A_495 = arith.index_cast %add3A_494 : i32 to index
        %get3A_496 = arith.constant 32 : index
        %get3A_497 = tpu.vector_load %arg9[%get3A_495, %get3A_496] {strides = array<i32>} : memref<400x64xf32, #tpu.memory_space<vmem>>, vector<1x16xf32>,
        %get3A_498 = vector.shape_cast %get3A_497 : vector<1x16xf32> to vector<16xf32>
        %max3A_499 = arith.maximumf %scan3A_401, %get3A_498 : vector<16xf32>
        %mul3A_500 = arith.constant 4 : i32
        %mul3A_501 = arith.muli %scan3A_398, %mul3A_500 : i32
        %add3A_502 = arith.constant 200 : i32
        %add3A_503 = arith.addi %add3A_502, %mul3A_501 : i32
        %add3A_504 = arith.constant 1 : i32
        %add3A_505 = arith.addi %add3A_503, %add3A_504 : i32
        %get3A_506 = arith.index_cast %add3A_505 : i32 to index
        %get3A_507 = arith.constant 32 : index
        %get3A_508 = tpu.vector_load %arg9[%get3A_506, %get3A_507] {strides = array<i32>} : memref<400x64xf32, #tpu.memory_space<vmem>>, vector<1x16xf32>,
        %get3A_509 = vector.shape_cast %get3A_508 : vector<1x16xf32> to vector<16xf32>
        %max3A_510 = arith.maximumf %max3A_499, %get3A_509 : vector<16xf32>
        %mul3A_511 = arith.constant 4 : i32
        %mul3A_512 = arith.muli %scan3A_398, %mul3A_511 : i32
        %add3A_513 = arith.constant 200 : i32
        %add3A_514 = arith.addi %add3A_513, %mul3A_512 : i32
        %add3A_515 = arith.constant 2 : i32
        %add3A_516 = arith.addi %add3A_514, %add3A_515 : i32
        %get3A_517 = arith.index_cast %add3A_516 : i32 to index
        %get3A_518 = arith.constant 32 : index
        %get3A_519 = tpu.vector_load %arg9[%get3A_517, %get3A_518] {strides = array<i32>} : memref<400x64xf32, #tpu.memory_space<vmem>>, vector<1x16xf32>,
        %get3A_520 = vector.shape_cast %get3A_519 : vector<1x16xf32> to vector<16xf32>
        %max3A_521 = arith.maximumf %max3A_510, %get3A_520 : vector<16xf32>
        %mul3A_522 = arith.constant 4 : i32
        %mul3A_523 = arith.muli %scan3A_398, %mul3A_522 : i32
        %add3A_524 = arith.constant 200 : i32
        %add3A_525 = arith.addi %add3A_524, %mul3A_523 : i32
        %add3A_526 = arith.constant 3 : i32
        %add3A_527 = arith.addi %add3A_525, %add3A_526 : i32
        %get3A_528 = arith.index_cast %add3A_527 : i32 to index
        %get3A_529 = arith.constant 32 : index
        %get3A_530 = tpu.vector_load %arg9[%get3A_528, %get3A_529] {strides = array<i32>} : memref<400x64xf32, #tpu.memory_space<vmem>>, vector<1x16xf32>,
        %get3A_531 = vector.shape_cast %get3A_530 : vector<1x16xf32> to vector<16xf32>
        %max3A_532 = arith.maximumf %max3A_521, %get3A_531 : vector<16xf32>
        %mul3A_533 = arith.constant 4 : i32
        %mul3A_534 = arith.muli %scan3A_398, %mul3A_533 : i32
        %add3A_535 = arith.constant 200 : i32
        %add3A_536 = arith.addi %add3A_535, %mul3A_534 : i32
        %add3A_537 = arith.constant 0 : i32
        %add3A_538 = arith.addi %add3A_536, %add3A_537 : i32
        %get3A_539 = arith.index_cast %add3A_538 : i32 to index
        %get3A_540 = arith.constant 48 : index
        %get3A_541 = tpu.vector_load %arg9[%get3A_539, %get3A_540] {strides = array<i32>} : memref<400x64xf32, #tpu.memory_space<vmem>>, vector<1x16xf32>,
        %get3A_542 = vector.shape_cast %get3A_541 : vector<1x16xf32> to vector<16xf32>
        %max3A_543 = arith.maximumf %scan3A_402, %get3A_542 : vector<16xf32>
        %mul3A_544 = arith.constant 4 : i32
        %mul3A_545 = arith.muli %scan3A_398, %mul3A_544 : i32
        %add3A_546 = arith.constant 200 : i32
        %add3A_547 = arith.addi %add3A_546, %mul3A_545 : i32
        %add3A_548 = arith.constant 1 : i32
        %add3A_549 = arith.addi %add3A_547, %add3A_548 : i32
        %get3A_550 = arith.index_cast %add3A_549 : i32 to index
        %get3A_551 = arith.constant 48 : index
        %get3A_552 = tpu.vector_load %arg9[%get3A_550, %get3A_551] {strides = array<i32>} : memref<400x64xf32, #tpu.memory_space<vmem>>, vector<1x16xf32>,
        %get3A_553 = vector.shape_cast %get3A_552 : vector<1x16xf32> to vector<16xf32>
        %max3A_554 = arith.maximumf %max3A_543, %get3A_553 : vector<16xf32>
        %mul3A_555 = arith.constant 4 : i32
        %mul3A_556 = arith.muli %scan3A_398, %mul3A_555 : i32
        %add3A_557 = arith.constant 200 : i32
        %add3A_558 = arith.addi %add3A_557, %mul3A_556 : i32
        %add3A_559 = arith.constant 2 : i32
        %add3A_560 = arith.addi %add3A_558, %add3A_559 : i32
        %get3A_561 = arith.index_cast %add3A_560 : i32 to index
        %get3A_562 = arith.constant 48 : index
        %get3A_563 = tpu.vector_load %arg9[%get3A_561, %get3A_562] {strides = array<i32>} : memref<400x64xf32, #tpu.memory_space<vmem>>, vector<1x16xf32>,
        %get3A_564 = vector.shape_cast %get3A_563 : vector<1x16xf32> to vector<16xf32>
        %max3A_565 = arith.maximumf %max3A_554, %get3A_564 : vector<16xf32>
        %mul3A_566 = arith.constant 4 : i32
        %mul3A_567 = arith.muli %scan3A_398, %mul3A_566 : i32
        %add3A_568 = arith.constant 200 : i32
        %add3A_569 = arith.addi %add3A_568, %mul3A_567 : i32
        %add3A_570 = arith.constant 3 : i32
        %add3A_571 = arith.addi %add3A_569, %add3A_570 : i32
        %get3A_572 = arith.index_cast %add3A_571 : i32 to index
        %get3A_573 = arith.constant 48 : index
        %get3A_574 = tpu.vector_load %arg9[%get3A_572, %get3A_573] {strides = array<i32>} : memref<400x64xf32, #tpu.memory_space<vmem>>, vector<1x16xf32>,
        %get3A_575 = vector.shape_cast %get3A_574 : vector<1x16xf32> to vector<16xf32>
        %max3A_576 = arith.maximumf %max3A_565, %get3A_575 : vector<16xf32>
        scf.yield %max3A_444, %max3A_488, %max3A_532, %max3A_576 : vector<16xf32>, vector<16xf32>, vector<16xf32>, vector<16xf32>
      }
      %scan3A_103 = arith.constant 50 : i32
      %swap3A_104 = arith.constant 1 : i32
      %swap3A_105 = arith.index_cast %swap3A_104 : i32 to index
      %swap3A_106 = arith.constant 0 : index
      %swap3A_107 = tpu.vector_load %arg13[%swap3A_105, %swap3A_106] {strides = array<i32>} : memref<2x64xf32, #tpu.memory_space<vmem>>, vector<1x16xf32>,
      %swap3A_108 = vector.shape_cast %swap3A_107 : vector<1x16xf32> to vector<16xf32>
      %swap3A_109 = vector.shape_cast %scan3A_102#0 : vector<16xf32> to vector<1x16xf32>
      tpu.vector_store %arg13[%swap3A_105, %swap3A_106], %swap3A_109 {strides = array<i32>} : memref<2x64xf32, #tpu.memory_space<vmem>>, vector<1x16xf32>,
      %swap3A_110 = arith.constant 1 : i32
      %swap3A_111 = arith.index_cast %swap3A_110 : i32 to index
      %swap3A_112 = arith.constant 16 : index
      %swap3A_113 = tpu.vector_load %arg13[%swap3A_111, %swap3A_112] {strides = array<i32>} : memref<2x64xf32, #tpu.memory_space<vmem>>, vector<1x16xf32>,
      %swap3A_114 = vector.shape_cast %swap3A_113 : vector<1x16xf32> to vector<16xf32>
      %swap3A_115 = vector.shape_cast %scan3A_102#1 : vector<16xf32> to vector<1x16xf32>
      tpu.vector_store %arg13[%swap3A_111, %swap3A_112], %swap3A_115 {strides = array<i32>} : memref<2x64xf32, #tpu.memory_space<vmem>>, vector<1x16xf32>,
      %swap3A_116 = arith.constant 1 : i32
      %swap3A_117 = arith.index_cast %swap3A_116 : i32 to index
      %swap3A_118 = arith.constant 32 : index
      %swap3A_119 = tpu.vector_load %arg13[%swap3A_117, %swap3A_118] {strides = array<i32>} : memref<2x64xf32, #tpu.memory_space<vmem>>, vector<1x16xf32>,
      %swap3A_120 = vector.shape_cast %swap3A_119 : vector<1x16xf32> to vector<16xf32>
      %swap3A_121 = vector.shape_cast %scan3A_102#2 : vector<16xf32> to vector<1x16xf32>
      tpu.vector_store %arg13[%swap3A_117, %swap3A_118], %swap3A_121 {strides = array<i32>} : memref<2x64xf32, #tpu.memory_space<vmem>>, vector<1x16xf32>,
      %swap3A_122 = arith.constant 1 : i32
      %swap3A_123 = arith.index_cast %swap3A_122 : i32 to index
      %swap3A_124 = arith.constant 48 : index
      %swap3A_125 = tpu.vector_load %arg13[%swap3A_123, %swap3A_124] {strides = array<i32>} : memref<2x64xf32, #tpu.memory_space<vmem>>, vector<1x16xf32>,
      %swap3A_126 = vector.shape_cast %swap3A_125 : vector<1x16xf32> to vector<16xf32>
      %swap3A_127 = vector.shape_cast %scan3A_102#3 : vector<16xf32> to vector<1x16xf32>
      tpu.vector_store %arg13[%swap3A_123, %swap3A_124], %swap3A_127 {strides = array<i32>} : memref<2x64xf32, #tpu.memory_space<vmem>>, vector<1x16xf32>,
      "tpu.region"() ({
        %run_scoped3A = tpu.sem_alloc : memref<!tpu.dma_semaphore, #tpu.memory_space<semaphore_mem>>
        %dma_start3A_398 = arith.constant 0 : i32
        %dma_start3A_399 = tpu.memref_slice %arg4[%add3A_65, %dma_start3A_398] : memref<16384x64xf32, #tpu.memory_space<hbm>> -> memref<2x64xf32, #tpu.memory_space<hbm>>
        %dma_start3A_400 = arith.constant 0 : i32
        %dma_start3A_401 = tpu.memref_slice %arg4[%add3A_65, %dma_start3A_400] : memref<16384x64xf32, #tpu.memory_space<hbm>> -> memref<2x64xf32, #tpu.memory_space<hbm>>
        tpu.enqueue_dma source(%arg13 : memref<2x64xf32, #tpu.memory_space<vmem>>) target(%dma_start3A_401 : memref<2x64xf32, #tpu.memory_space<hbm>>) target_semaphore(%run_scoped3A : memref<!tpu.dma_semaphore, #tpu.memory_space<semaphore_mem>>)
        %dma_wait3A_402 = arith.constant 0 : i32
        %dma_wait3A_403 = tpu.memref_slice %arg4[%add3A_65, %dma_wait3A_402] : memref<16384x64xf32, #tpu.memory_space<hbm>> -> memref<2x64xf32, #tpu.memory_space<hbm>>
        %dma_wait3A_404 = arith.constant 0 : i32
        %dma_wait3A_405 = tpu.memref_slice %arg4[%add3A_65, %dma_wait3A_404] : memref<16384x64xf32, #tpu.memory_space<hbm>> -> memref<2x64xf32, #tpu.memory_space<hbm>>
        tpu.wait_dma2 semaphore(%run_scoped3A : memref<!tpu.dma_semaphore, #tpu.memory_space<semaphore_mem>>) src(%arg13 : memref<2x64xf32, #tpu.memory_space<vmem>>) dst(%dma_wait3A_405 : memref<2x64xf32, #tpu.memory_space<hbm>>)
        tpu.yield
      }) : () -> ()
      %mul3A_128 = arith.constant 4 : i32
      %mul3A_129 = arith.muli %mul3A_128, %scan3A_43 : i32
      %add3A_130 = arith.constant 1 : i32
      %add3A_131 = arith.addi %mul3A_129, %add3A_130 : i32
      %add3A_132 = arith.constant 4 : i32
      %add3A_133 = arith.addi %add3A_131, %add3A_132 : i32
      %sub3A_134 = arith.constant 1 : i32
      %sub3A_135 = arith.subi %add3A_133, %sub3A_134 : i32
      %lt3A_136 = arith.constant 256 : i32
      %lt3A_137 = arith.cmpi slt, %sub3A_135, %lt3A_136 : i32
      %convert_element_type3A_138 = arith.extui %lt3A_137 : i1 to i32
      %cond3A_139 = arith.constant 0 : i32
      %cond3A_140 = arith.cmpi ne, %convert_element_type3A_138, %cond3A_139 : i32
      scf.if %cond3A_140 {
        %dma_wait3A_398 = arith.constant 0 : i32
        %dma_wait3A_399 = tpu.memref_slice %arg2[%dma_wait3A_398] : memref<3276800xi32, #tpu.memory_space<hbm>> -> memref<400xi32, #tpu.memory_space<hbm>>
        %dma_wait3A_400 = arith.constant 0 : i32
        %dma_wait3A_401 = tpu.memref_slice %arg2[%dma_wait3A_400] : memref<3276800xi32, #tpu.memory_space<hbm>> -> memref<400xi32, #tpu.memory_space<hbm>>
        tpu.wait_dma2 semaphore(%arg14 : memref<!tpu.dma_semaphore, #tpu.memory_space<semaphore_mem>>) src(%dma_wait3A_401 : memref<400xi32, #tpu.memory_space<hbm>>) dst(%arg5 : memref<400xi32, #tpu.memory_space<vmem>>)
        %dma_start3A_402 = arith.constant 0 : i32
        %dma_start3A_403 = arith.constant 0 : i32
        %dma_start3A_404 = tpu.memref_slice %arg3[%dma_start3A_402, %dma_start3A_403] : memref<1000000x64xf32, #tpu.memory_space<hbm>> -> memref<1000000x64xf32, #tpu.memory_space<hbm>>
        tpu.enqueue_indirect_dma source(%dma_start3A_404 : memref<1000000x64xf32, #tpu.memory_space<hbm>>) target(%arg9 : memref<400x64xf32, #tpu.memory_space<vmem>>) offsets(%arg5 : memref<400xi32, #tpu.memory_space<vmem>>) semaphore(%arg18 : memref<!tpu.dma_semaphore, #tpu.memory_space<semaphore_mem>>)
      } else {
      }
      %dma_wait3A_141 = arith.constant 0 : i32
      %dma_wait3A_142 = arith.constant 0 : i32
      %dma_wait3A_143 = tpu.memref_slice %arg3[%dma_wait3A_141, %dma_wait3A_142] : memref<1000000x64xf32, #tpu.memory_space<hbm>> -> memref<1000000x64xf32, #tpu.memory_space<hbm>>
      tpu.wait_indirect_dma semaphore(%arg19 : memref<!tpu.dma_semaphore, #tpu.memory_space<semaphore_mem>>) src(%dma_wait3A_143 : memref<1000000x64xf32, #tpu.memory_space<hbm>>) dst(%arg10 : memref<400x64xf32, #tpu.memory_space<vmem>>)
      %add3A_144 = arith.constant 4 : i32
      %add3A_145 = arith.addi %add3A_131, %add3A_144 : i32
      %lt3A_146 = arith.constant 256 : i32
      %lt3A_147 = arith.cmpi slt, %add3A_145, %lt3A_146 : i32
      %convert_element_type3A_148 = arith.extui %lt3A_147 : i1 to i32
      %cond3A_149 = arith.constant 0 : i32
      %cond3A_150 = arith.cmpi ne, %convert_element_type3A_148, %cond3A_149 : i32
      scf.if %cond3A_150 {
        %add3A_398 = arith.constant 4 : i32
        %add3A_399 = arith.addi %add3A_131, %add3A_398 : i32
        %mul3A_400 = arith.constant 2 : i32
        %mul3A_401 = arith.muli %add3A_399, %mul3A_400 : i32
        %add3A_402 = arith.addi %mul3A_2, %mul3A_401 : i32
        %mul3A_403 = arith.constant 200 : i32
        %mul3A_404 = arith.muli %mul3A_403, %add3A_402 : i32
        %dma_start3A_405 = tpu.memref_slice %arg2[%mul3A_404] : memref<3276800xi32, #tpu.memory_space<hbm>> -> memref<400xi32, #tpu.memory_space<hbm>>
        %dma_start3A_406 = tpu.memref_slice %arg2[%mul3A_404] : memref<3276800xi32, #tpu.memory_space<hbm>> -> memref<400xi32, #tpu.memory_space<hbm>>
        tpu.enqueue_dma source(%dma_start3A_406 : memref<400xi32, #tpu.memory_space<hbm>>) target(%arg6 : memref<400xi32, #tpu.memory_space<vmem>>) target_semaphore(%arg15 : memref<!tpu.dma_semaphore, #tpu.memory_space<semaphore_mem>>)
      } else {
      }
      %mul3A_151 = arith.constant 2 : i32
      %mul3A_152 = arith.muli %add3A_131, %mul3A_151 : i32
      %add3A_153 = arith.addi %mul3A_2, %mul3A_152 : i32
      %broadcast_in_dim3A_154 = arith.constant 0xFF800000 : f32
      %broadcast_in_dim3A_155 = vector.broadcast %broadcast_in_dim3A_154 : f32 to vector<16xf32>
      %scan3A_156 = arith.constant 0 : i32
      %scan3A_157 = arith.constant 50 : i32
      %scan3A_158 = arith.addi %scan3A_156, %scan3A_157 : i32
      %scan3A_159 = arith.constant 1 : i32
      %scan3A_160:4 = scf.for %scan3A_398 = %scan3A_156 to %scan3A_158 step %scan3A_159 iter_args(%scan3A_399 = %broadcast_in_dim3A_155, %scan3A_400 = %broadcast_in_dim3A_155, %scan3A_401 = %broadcast_in_dim3A_155, %scan3A_402 = %broadcast_in_dim3A_155) -> (vector<16xf32>, vector<16xf32>, vector<16xf32>, vector<16xf32>)  : i32 {
        %mul3A_403 = arith.constant 4 : i32
        %mul3A_404 = arith.muli %scan3A_398, %mul3A_403 : i32
        %add3A_405 = arith.constant 0 : i32
        %add3A_406 = arith.addi %add3A_405, %mul3A_404 : i32
        %add3A_407 = arith.constant 0 : i32
        %add3A_408 = arith.addi %add3A_406, %add3A_407 : i32
        %get3A = arith.index_cast %add3A_408 : i32 to index
        %get3A_409 = arith.constant 0 : index
        %get3A_410 = tpu.vector_load %arg10[%get3A, %get3A_409] {strides = array<i32>} : memref<400x64xf32, #tpu.memory_space<vmem>>, vector<1x16xf32>,
        %get3A_411 = vector.shape_cast %get3A_410 : vector<1x16xf32> to vector<16xf32>
        %max3A = arith.maximumf %scan3A_399, %get3A_411 : vector<16xf32>
        %mul3A_412 = arith.constant 4 : i32
        %mul3A_413 = arith.muli %scan3A_398, %mul3A_412 : i32
        %add3A_414 = arith.constant 0 : i32
        %add3A_415 = arith.addi %add3A_414, %mul3A_413 : i32
        %add3A_416 = arith.constant 1 : i32
        %add3A_417 = arith.addi %add3A_415, %add3A_416 : i32
        %get3A_418 = arith.index_cast %add3A_417 : i32 to index
        %get3A_419 = arith.constant 0 : index
        %get3A_420 = tpu.vector_load %arg10[%get3A_418, %get3A_419] {strides = array<i32>} : memref<400x64xf32, #tpu.memory_space<vmem>>, vector<1x16xf32>,
        %get3A_421 = vector.shape_cast %get3A_420 : vector<1x16xf32> to vector<16xf32>
        %max3A_422 = arith.maximumf %max3A, %get3A_421 : vector<16xf32>
        %mul3A_423 = arith.constant 4 : i32
        %mul3A_424 = arith.muli %scan3A_398, %mul3A_423 : i32
        %add3A_425 = arith.constant 0 : i32
        %add3A_426 = arith.addi %add3A_425, %mul3A_424 : i32
        %add3A_427 = arith.constant 2 : i32
        %add3A_428 = arith.addi %add3A_426, %add3A_427 : i32
        %get3A_429 = arith.index_cast %add3A_428 : i32 to index
        %get3A_430 = arith.constant 0 : index
        %get3A_431 = tpu.vector_load %arg10[%get3A_429, %get3A_430] {strides = array<i32>} : memref<400x64xf32, #tpu.memory_space<vmem>>, vector<1x16xf32>,
        %get3A_432 = vector.shape_cast %get3A_431 : vector<1x16xf32> to vector<16xf32>
        %max3A_433 = arith.maximumf %max3A_422, %get3A_432 : vector<16xf32>
        %mul3A_434 = arith.constant 4 : i32
        %mul3A_435 = arith.muli %scan3A_398, %mul3A_434 : i32
        %add3A_436 = arith.constant 0 : i32
        %add3A_437 = arith.addi %add3A_436, %mul3A_435 : i32
        %add3A_438 = arith.constant 3 : i32
        %add3A_439 = arith.addi %add3A_437, %add3A_438 : i32
        %get3A_440 = arith.index_cast %add3A_439 : i32 to index
        %get3A_441 = arith.constant 0 : index
        %get3A_442 = tpu.vector_load %arg10[%get3A_440, %get3A_441] {strides = array<i32>} : memref<400x64xf32, #tpu.memory_space<vmem>>, vector<1x16xf32>,
        %get3A_443 = vector.shape_cast %get3A_442 : vector<1x16xf32> to vector<16xf32>
        %max3A_444 = arith.maximumf %max3A_433, %get3A_443 : vector<16xf32>
        %mul3A_445 = arith.constant 4 : i32
        %mul3A_446 = arith.muli %scan3A_398, %mul3A_445 : i32
        %add3A_447 = arith.constant 0 : i32
        %add3A_448 = arith.addi %add3A_447, %mul3A_446 : i32
        %add3A_449 = arith.constant 0 : i32
        %add3A_450 = arith.addi %add3A_448, %add3A_449 : i32
        %get3A_451 = arith.index_cast %add3A_450 : i32 to index
        %get3A_452 = arith.constant 16 : index
        %get3A_453 = tpu.vector_load %arg10[%get3A_451, %get3A_452] {strides = array<i32>} : memref<400x64xf32, #tpu.memory_space<vmem>>, vector<1x16xf32>,
        %get3A_454 = vector.shape_cast %get3A_453 : vector<1x16xf32> to vector<16xf32>
        %max3A_455 = arith.maximumf %scan3A_400, %get3A_454 : vector<16xf32>
        %mul3A_456 = arith.constant 4 : i32
        %mul3A_457 = arith.muli %scan3A_398, %mul3A_456 : i32
        %add3A_458 = arith.constant 0 : i32
        %add3A_459 = arith.addi %add3A_458, %mul3A_457 : i32
        %add3A_460 = arith.constant 1 : i32
        %add3A_461 = arith.addi %add3A_459, %add3A_460 : i32
        %get3A_462 = arith.index_cast %add3A_461 : i32 to index
        %get3A_463 = arith.constant 16 : index
        %get3A_464 = tpu.vector_load %arg10[%get3A_462, %get3A_463] {strides = array<i32>} : memref<400x64xf32, #tpu.memory_space<vmem>>, vector<1x16xf32>,
        %get3A_465 = vector.shape_cast %get3A_464 : vector<1x16xf32> to vector<16xf32>
        %max3A_466 = arith.maximumf %max3A_455, %get3A_465 : vector<16xf32>
        %mul3A_467 = arith.constant 4 : i32
        %mul3A_468 = arith.muli %scan3A_398, %mul3A_467 : i32
        %add3A_469 = arith.constant 0 : i32
        %add3A_470 = arith.addi %add3A_469, %mul3A_468 : i32
        %add3A_471 = arith.constant 2 : i32
        %add3A_472 = arith.addi %add3A_470, %add3A_471 : i32
        %get3A_473 = arith.index_cast %add3A_472 : i32 to index
        %get3A_474 = arith.constant 16 : index
        %get3A_475 = tpu.vector_load %arg10[%get3A_473, %get3A_474] {strides = array<i32>} : memref<400x64xf32, #tpu.memory_space<vmem>>, vector<1x16xf32>,
        %get3A_476 = vector.shape_cast %get3A_475 : vector<1x16xf32> to vector<16xf32>
        %max3A_477 = arith.maximumf %max3A_466, %get3A_476 : vector<16xf32>
        %mul3A_478 = arith.constant 4 : i32
        %mul3A_479 = arith.muli %scan3A_398, %mul3A_478 : i32
        %add3A_480 = arith.constant 0 : i32
        %add3A_481 = arith.addi %add3A_480, %mul3A_479 : i32
        %add3A_482 = arith.constant 3 : i32
        %add3A_483 = arith.addi %add3A_481, %add3A_482 : i32
        %get3A_484 = arith.index_cast %add3A_483 : i32 to index
        %get3A_485 = arith.constant 16 : index
        %get3A_486 = tpu.vector_load %arg10[%get3A_484, %get3A_485] {strides = array<i32>} : memref<400x64xf32, #tpu.memory_space<vmem>>, vector<1x16xf32>,
        %get3A_487 = vector.shape_cast %get3A_486 : vector<1x16xf32> to vector<16xf32>
        %max3A_488 = arith.maximumf %max3A_477, %get3A_487 : vector<16xf32>
        %mul3A_489 = arith.constant 4 : i32
        %mul3A_490 = arith.muli %scan3A_398, %mul3A_489 : i32
        %add3A_491 = arith.constant 0 : i32
        %add3A_492 = arith.addi %add3A_491, %mul3A_490 : i32
        %add3A_493 = arith.constant 0 : i32
        %add3A_494 = arith.addi %add3A_492, %add3A_493 : i32
        %get3A_495 = arith.index_cast %add3A_494 : i32 to index
        %get3A_496 = arith.constant 32 : index
        %get3A_497 = tpu.vector_load %arg10[%get3A_495, %get3A_496] {strides = array<i32>} : memref<400x64xf32, #tpu.memory_space<vmem>>, vector<1x16xf32>,
        %get3A_498 = vector.shape_cast %get3A_497 : vector<1x16xf32> to vector<16xf32>
        %max3A_499 = arith.maximumf %scan3A_401, %get3A_498 : vector<16xf32>
        %mul3A_500 = arith.constant 4 : i32
        %mul3A_501 = arith.muli %scan3A_398, %mul3A_500 : i32
        %add3A_502 = arith.constant 0 : i32
        %add3A_503 = arith.addi %add3A_502, %mul3A_501 : i32
        %add3A_504 = arith.constant 1 : i32
        %add3A_505 = arith.addi %add3A_503, %add3A_504 : i32
        %get3A_506 = arith.index_cast %add3A_505 : i32 to index
        %get3A_507 = arith.constant 32 : index
        %get3A_508 = tpu.vector_load %arg10[%get3A_506, %get3A_507] {strides = array<i32>} : memref<400x64xf32, #tpu.memory_space<vmem>>, vector<1x16xf32>,
        %get3A_509 = vector.shape_cast %get3A_508 : vector<1x16xf32> to vector<16xf32>
        %max3A_510 = arith.maximumf %max3A_499, %get3A_509 : vector<16xf32>
        %mul3A_511 = arith.constant 4 : i32
        %mul3A_512 = arith.muli %scan3A_398, %mul3A_511 : i32
        %add3A_513 = arith.constant 0 : i32
        %add3A_514 = arith.addi %add3A_513, %mul3A_512 : i32
        %add3A_515 = arith.constant 2 : i32
        %add3A_516 = arith.addi %add3A_514, %add3A_515 : i32
        %get3A_517 = arith.index_cast %add3A_516 : i32 to index
        %get3A_518 = arith.constant 32 : index
        %get3A_519 = tpu.vector_load %arg10[%get3A_517, %get3A_518] {strides = array<i32>} : memref<400x64xf32, #tpu.memory_space<vmem>>, vector<1x16xf32>,
        %get3A_520 = vector.shape_cast %get3A_519 : vector<1x16xf32> to vector<16xf32>
        %max3A_521 = arith.maximumf %max3A_510, %get3A_520 : vector<16xf32>
        %mul3A_522 = arith.constant 4 : i32
        %mul3A_523 = arith.muli %scan3A_398, %mul3A_522 : i32
        %add3A_524 = arith.constant 0 : i32
        %add3A_525 = arith.addi %add3A_524, %mul3A_523 : i32
        %add3A_526 = arith.constant 3 : i32
        %add3A_527 = arith.addi %add3A_525, %add3A_526 : i32
        %get3A_528 = arith.index_cast %add3A_527 : i32 to index
        %get3A_529 = arith.constant 32 : index
        %get3A_530 = tpu.vector_load %arg10[%get3A_528, %get3A_529] {strides = array<i32>} : memref<400x64xf32, #tpu.memory_space<vmem>>, vector<1x16xf32>,
        %get3A_531 = vector.shape_cast %get3A_530 : vector<1x16xf32> to vector<16xf32>
        %max3A_532 = arith.maximumf %max3A_521, %get3A_531 : vector<16xf32>
        %mul3A_533 = arith.constant 4 : i32
        %mul3A_534 = arith.muli %scan3A_398, %mul3A_533 : i32
        %add3A_535 = arith.constant 0 : i32
        %add3A_536 = arith.addi %add3A_535, %mul3A_534 : i32
        %add3A_537 = arith.constant 0 : i32
        %add3A_538 = arith.addi %add3A_536, %add3A_537 : i32
        %get3A_539 = arith.index_cast %add3A_538 : i32 to index
        %get3A_540 = arith.constant 48 : index
        %get3A_541 = tpu.vector_load %arg10[%get3A_539, %get3A_540] {strides = array<i32>} : memref<400x64xf32, #tpu.memory_space<vmem>>, vector<1x16xf32>,
        %get3A_542 = vector.shape_cast %get3A_541 : vector<1x16xf32> to vector<16xf32>
        %max3A_543 = arith.maximumf %scan3A_402, %get3A_542 : vector<16xf32>
        %mul3A_544 = arith.constant 4 : i32
        %mul3A_545 = arith.muli %scan3A_398, %mul3A_544 : i32
        %add3A_546 = arith.constant 0 : i32
        %add3A_547 = arith.addi %add3A_546, %mul3A_545 : i32
        %add3A_548 = arith.constant 1 : i32
        %add3A_549 = arith.addi %add3A_547, %add3A_548 : i32
        %get3A_550 = arith.index_cast %add3A_549 : i32 to index
        %get3A_551 = arith.constant 48 : index
        %get3A_552 = tpu.vector_load %arg10[%get3A_550, %get3A_551] {strides = array<i32>} : memref<400x64xf32, #tpu.memory_space<vmem>>, vector<1x16xf32>,
        %get3A_553 = vector.shape_cast %get3A_552 : vector<1x16xf32> to vector<16xf32>
        %max3A_554 = arith.maximumf %max3A_543, %get3A_553 : vector<16xf32>
        %mul3A_555 = arith.constant 4 : i32
        %mul3A_556 = arith.muli %scan3A_398, %mul3A_555 : i32
        %add3A_557 = arith.constant 0 : i32
        %add3A_558 = arith.addi %add3A_557, %mul3A_556 : i32
        %add3A_559 = arith.constant 2 : i32
        %add3A_560 = arith.addi %add3A_558, %add3A_559 : i32
        %get3A_561 = arith.index_cast %add3A_560 : i32 to index
        %get3A_562 = arith.constant 48 : index
        %get3A_563 = tpu.vector_load %arg10[%get3A_561, %get3A_562] {strides = array<i32>} : memref<400x64xf32, #tpu.memory_space<vmem>>, vector<1x16xf32>,
        %get3A_564 = vector.shape_cast %get3A_563 : vector<1x16xf32> to vector<16xf32>
        %max3A_565 = arith.maximumf %max3A_554, %get3A_564 : vector<16xf32>
        %mul3A_566 = arith.constant 4 : i32
        %mul3A_567 = arith.muli %scan3A_398, %mul3A_566 : i32
        %add3A_568 = arith.constant 0 : i32
        %add3A_569 = arith.addi %add3A_568, %mul3A_567 : i32
        %add3A_570 = arith.constant 3 : i32
        %add3A_571 = arith.addi %add3A_569, %add3A_570 : i32
        %get3A_572 = arith.index_cast %add3A_571 : i32 to index
        %get3A_573 = arith.constant 48 : index
        %get3A_574 = tpu.vector_load %arg10[%get3A_572, %get3A_573] {strides = array<i32>} : memref<400x64xf32, #tpu.memory_space<vmem>>, vector<1x16xf32>,
        %get3A_575 = vector.shape_cast %get3A_574 : vector<1x16xf32> to vector<16xf32>
        %max3A_576 = arith.maximumf %max3A_565, %get3A_575 : vector<16xf32>
        scf.yield %max3A_444, %max3A_488, %max3A_532, %max3A_576 : vector<16xf32>, vector<16xf32>, vector<16xf32>, vector<16xf32>
      }
      %scan3A_161 = arith.constant 50 : i32
      %swap3A_162 = arith.constant 0 : i32
      %swap3A_163 = arith.index_cast %swap3A_162 : i32 to index
      %swap3A_164 = arith.constant 0 : index
      %swap3A_165 = tpu.vector_load %arg13[%swap3A_163, %swap3A_164] {strides = array<i32>} : memref<2x64xf32, #tpu.memory_space<vmem>>, vector<1x16xf32>,
      %swap3A_166 = vector.shape_cast %swap3A_165 : vector<1x16xf32> to vector<16xf32>
      %swap3A_167 = vector.shape_cast %scan3A_160#0 : vector<16xf32> to vector<1x16xf32>
      tpu.vector_store %arg13[%swap3A_163, %swap3A_164], %swap3A_167 {strides = array<i32>} : memref<2x64xf32, #tpu.memory_space<vmem>>, vector<1x16xf32>,
      %swap3A_168 = arith.constant 0 : i32
      %swap3A_169 = arith.index_cast %swap3A_168 : i32 to index
      %swap3A_170 = arith.constant 16 : index
      %swap3A_171 = tpu.vector_load %arg13[%swap3A_169, %swap3A_170] {strides = array<i32>} : memref<2x64xf32, #tpu.memory_space<vmem>>, vector<1x16xf32>,
      %swap3A_172 = vector.shape_cast %swap3A_171 : vector<1x16xf32> to vector<16xf32>
      %swap3A_173 = vector.shape_cast %scan3A_160#1 : vector<16xf32> to vector<1x16xf32>
      tpu.vector_store %arg13[%swap3A_169, %swap3A_170], %swap3A_173 {strides = array<i32>} : memref<2x64xf32, #tpu.memory_space<vmem>>, vector<1x16xf32>,
      %swap3A_174 = arith.constant 0 : i32
      %swap3A_175 = arith.index_cast %swap3A_174 : i32 to index
      %swap3A_176 = arith.constant 32 : index
      %swap3A_177 = tpu.vector_load %arg13[%swap3A_175, %swap3A_176] {strides = array<i32>} : memref<2x64xf32, #tpu.memory_space<vmem>>, vector<1x16xf32>,
      %swap3A_178 = vector.shape_cast %swap3A_177 : vector<1x16xf32> to vector<16xf32>
      %swap3A_179 = vector.shape_cast %scan3A_160#2 : vector<16xf32> to vector<1x16xf32>
      tpu.vector_store %arg13[%swap3A_175, %swap3A_176], %swap3A_179 {strides = array<i32>} : memref<2x64xf32, #tpu.memory_space<vmem>>, vector<1x16xf32>,
      %swap3A_180 = arith.constant 0 : i32
      %swap3A_181 = arith.index_cast %swap3A_180 : i32 to index
      %swap3A_182 = arith.constant 48 : index
      %swap3A_183 = tpu.vector_load %arg13[%swap3A_181, %swap3A_182] {strides = array<i32>} : memref<2x64xf32, #tpu.memory_space<vmem>>, vector<1x16xf32>,
      %swap3A_184 = vector.shape_cast %swap3A_183 : vector<1x16xf32> to vector<16xf32>
      %swap3A_185 = vector.shape_cast %scan3A_160#3 : vector<16xf32> to vector<1x16xf32>
      tpu.vector_store %arg13[%swap3A_181, %swap3A_182], %swap3A_185 {strides = array<i32>} : memref<2x64xf32, #tpu.memory_space<vmem>>, vector<1x16xf32>,
      %broadcast_in_dim3A_186 = arith.constant 0xFF800000 : f32
      %broadcast_in_dim3A_187 = vector.broadcast %broadcast_in_dim3A_186 : f32 to vector<16xf32>
      %scan3A_188 = arith.constant 0 : i32
      %scan3A_189 = arith.constant 50 : i32
      %scan3A_190 = arith.addi %scan3A_188, %scan3A_189 : i32
      %scan3A_191 = arith.constant 1 : i32
      %scan3A_192:4 = scf.for %scan3A_398 = %scan3A_188 to %scan3A_190 step %scan3A_191 iter_args(%scan3A_399 = %broadcast_in_dim3A_187, %scan3A_400 = %broadcast_in_dim3A_187, %scan3A_401 = %broadcast_in_dim3A_187, %scan3A_402 = %broadcast_in_dim3A_187) -> (vector<16xf32>, vector<16xf32>, vector<16xf32>, vector<16xf32>)  : i32 {
        %mul3A_403 = arith.constant 4 : i32
        %mul3A_404 = arith.muli %scan3A_398, %mul3A_403 : i32
        %add3A_405 = arith.constant 200 : i32
        %add3A_406 = arith.addi %add3A_405, %mul3A_404 : i32
        %add3A_407 = arith.constant 0 : i32
        %add3A_408 = arith.addi %add3A_406, %add3A_407 : i32
        %get3A = arith.index_cast %add3A_408 : i32 to index
        %get3A_409 = arith.constant 0 : index
        %get3A_410 = tpu.vector_load %arg10[%get3A, %get3A_409] {strides = array<i32>} : memref<400x64xf32, #tpu.memory_space<vmem>>, vector<1x16xf32>,
        %get3A_411 = vector.shape_cast %get3A_410 : vector<1x16xf32> to vector<16xf32>
        %max3A = arith.maximumf %scan3A_399, %get3A_411 : vector<16xf32>
        %mul3A_412 = arith.constant 4 : i32
        %mul3A_413 = arith.muli %scan3A_398, %mul3A_412 : i32
        %add3A_414 = arith.constant 200 : i32
        %add3A_415 = arith.addi %add3A_414, %mul3A_413 : i32
        %add3A_416 = arith.constant 1 : i32
        %add3A_417 = arith.addi %add3A_415, %add3A_416 : i32
        %get3A_418 = arith.index_cast %add3A_417 : i32 to index
        %get3A_419 = arith.constant 0 : index
        %get3A_420 = tpu.vector_load %arg10[%get3A_418, %get3A_419] {strides = array<i32>} : memref<400x64xf32, #tpu.memory_space<vmem>>, vector<1x16xf32>,
        %get3A_421 = vector.shape_cast %get3A_420 : vector<1x16xf32> to vector<16xf32>
        %max3A_422 = arith.maximumf %max3A, %get3A_421 : vector<16xf32>
        %mul3A_423 = arith.constant 4 : i32
        %mul3A_424 = arith.muli %scan3A_398, %mul3A_423 : i32
        %add3A_425 = arith.constant 200 : i32
        %add3A_426 = arith.addi %add3A_425, %mul3A_424 : i32
        %add3A_427 = arith.constant 2 : i32
        %add3A_428 = arith.addi %add3A_426, %add3A_427 : i32
        %get3A_429 = arith.index_cast %add3A_428 : i32 to index
        %get3A_430 = arith.constant 0 : index
        %get3A_431 = tpu.vector_load %arg10[%get3A_429, %get3A_430] {strides = array<i32>} : memref<400x64xf32, #tpu.memory_space<vmem>>, vector<1x16xf32>,
        %get3A_432 = vector.shape_cast %get3A_431 : vector<1x16xf32> to vector<16xf32>
        %max3A_433 = arith.maximumf %max3A_422, %get3A_432 : vector<16xf32>
        %mul3A_434 = arith.constant 4 : i32
        %mul3A_435 = arith.muli %scan3A_398, %mul3A_434 : i32
        %add3A_436 = arith.constant 200 : i32
        %add3A_437 = arith.addi %add3A_436, %mul3A_435 : i32
        %add3A_438 = arith.constant 3 : i32
        %add3A_439 = arith.addi %add3A_437, %add3A_438 : i32
        %get3A_440 = arith.index_cast %add3A_439 : i32 to index
        %get3A_441 = arith.constant 0 : index
        %get3A_442 = tpu.vector_load %arg10[%get3A_440, %get3A_441] {strides = array<i32>} : memref<400x64xf32, #tpu.memory_space<vmem>>, vector<1x16xf32>,
        %get3A_443 = vector.shape_cast %get3A_442 : vector<1x16xf32> to vector<16xf32>
        %max3A_444 = arith.maximumf %max3A_433, %get3A_443 : vector<16xf32>
        %mul3A_445 = arith.constant 4 : i32
        %mul3A_446 = arith.muli %scan3A_398, %mul3A_445 : i32
        %add3A_447 = arith.constant 200 : i32
        %add3A_448 = arith.addi %add3A_447, %mul3A_446 : i32
        %add3A_449 = arith.constant 0 : i32
        %add3A_450 = arith.addi %add3A_448, %add3A_449 : i32
        %get3A_451 = arith.index_cast %add3A_450 : i32 to index
        %get3A_452 = arith.constant 16 : index
        %get3A_453 = tpu.vector_load %arg10[%get3A_451, %get3A_452] {strides = array<i32>} : memref<400x64xf32, #tpu.memory_space<vmem>>, vector<1x16xf32>,
        %get3A_454 = vector.shape_cast %get3A_453 : vector<1x16xf32> to vector<16xf32>
        %max3A_455 = arith.maximumf %scan3A_400, %get3A_454 : vector<16xf32>
        %mul3A_456 = arith.constant 4 : i32
        %mul3A_457 = arith.muli %scan3A_398, %mul3A_456 : i32
        %add3A_458 = arith.constant 200 : i32
        %add3A_459 = arith.addi %add3A_458, %mul3A_457 : i32
        %add3A_460 = arith.constant 1 : i32
        %add3A_461 = arith.addi %add3A_459, %add3A_460 : i32
        %get3A_462 = arith.index_cast %add3A_461 : i32 to index
        %get3A_463 = arith.constant 16 : index
        %get3A_464 = tpu.vector_load %arg10[%get3A_462, %get3A_463] {strides = array<i32>} : memref<400x64xf32, #tpu.memory_space<vmem>>, vector<1x16xf32>,
        %get3A_465 = vector.shape_cast %get3A_464 : vector<1x16xf32> to vector<16xf32>
        %max3A_466 = arith.maximumf %max3A_455, %get3A_465 : vector<16xf32>
        %mul3A_467 = arith.constant 4 : i32
        %mul3A_468 = arith.muli %scan3A_398, %mul3A_467 : i32
        %add3A_469 = arith.constant 200 : i32
        %add3A_470 = arith.addi %add3A_469, %mul3A_468 : i32
        %add3A_471 = arith.constant 2 : i32
        %add3A_472 = arith.addi %add3A_470, %add3A_471 : i32
        %get3A_473 = arith.index_cast %add3A_472 : i32 to index
        %get3A_474 = arith.constant 16 : index
        %get3A_475 = tpu.vector_load %arg10[%get3A_473, %get3A_474] {strides = array<i32>} : memref<400x64xf32, #tpu.memory_space<vmem>>, vector<1x16xf32>,
        %get3A_476 = vector.shape_cast %get3A_475 : vector<1x16xf32> to vector<16xf32>
        %max3A_477 = arith.maximumf %max3A_466, %get3A_476 : vector<16xf32>
        %mul3A_478 = arith.constant 4 : i32
        %mul3A_479 = arith.muli %scan3A_398, %mul3A_478 : i32
        %add3A_480 = arith.constant 200 : i32
        %add3A_481 = arith.addi %add3A_480, %mul3A_479 : i32
        %add3A_482 = arith.constant 3 : i32
        %add3A_483 = arith.addi %add3A_481, %add3A_482 : i32
        %get3A_484 = arith.index_cast %add3A_483 : i32 to index
        %get3A_485 = arith.constant 16 : index
        %get3A_486 = tpu.vector_load %arg10[%get3A_484, %get3A_485] {strides = array<i32>} : memref<400x64xf32, #tpu.memory_space<vmem>>, vector<1x16xf32>,
        %get3A_487 = vector.shape_cast %get3A_486 : vector<1x16xf32> to vector<16xf32>
        %max3A_488 = arith.maximumf %max3A_477, %get3A_487 : vector<16xf32>
        %mul3A_489 = arith.constant 4 : i32
        %mul3A_490 = arith.muli %scan3A_398, %mul3A_489 : i32
        %add3A_491 = arith.constant 200 : i32
        %add3A_492 = arith.addi %add3A_491, %mul3A_490 : i32
        %add3A_493 = arith.constant 0 : i32
        %add3A_494 = arith.addi %add3A_492, %add3A_493 : i32
        %get3A_495 = arith.index_cast %add3A_494 : i32 to index
        %get3A_496 = arith.constant 32 : index
        %get3A_497 = tpu.vector_load %arg10[%get3A_495, %get3A_496] {strides = array<i32>} : memref<400x64xf32, #tpu.memory_space<vmem>>, vector<1x16xf32>,
        %get3A_498 = vector.shape_cast %get3A_497 : vector<1x16xf32> to vector<16xf32>
        %max3A_499 = arith.maximumf %scan3A_401, %get3A_498 : vector<16xf32>
        %mul3A_500 = arith.constant 4 : i32
        %mul3A_501 = arith.muli %scan3A_398, %mul3A_500 : i32
        %add3A_502 = arith.constant 200 : i32
        %add3A_503 = arith.addi %add3A_502, %mul3A_501 : i32
        %add3A_504 = arith.constant 1 : i32
        %add3A_505 = arith.addi %add3A_503, %add3A_504 : i32
        %get3A_506 = arith.index_cast %add3A_505 : i32 to index
        %get3A_507 = arith.constant 32 : index
        %get3A_508 = tpu.vector_load %arg10[%get3A_506, %get3A_507] {strides = array<i32>} : memref<400x64xf32, #tpu.memory_space<vmem>>, vector<1x16xf32>,
        %get3A_509 = vector.shape_cast %get3A_508 : vector<1x16xf32> to vector<16xf32>
        %max3A_510 = arith.maximumf %max3A_499, %get3A_509 : vector<16xf32>
        %mul3A_511 = arith.constant 4 : i32
        %mul3A_512 = arith.muli %scan3A_398, %mul3A_511 : i32
        %add3A_513 = arith.constant 200 : i32
        %add3A_514 = arith.addi %add3A_513, %mul3A_512 : i32
        %add3A_515 = arith.constant 2 : i32
        %add3A_516 = arith.addi %add3A_514, %add3A_515 : i32
        %get3A_517 = arith.index_cast %add3A_516 : i32 to index
        %get3A_518 = arith.constant 32 : index
        %get3A_519 = tpu.vector_load %arg10[%get3A_517, %get3A_518] {strides = array<i32>} : memref<400x64xf32, #tpu.memory_space<vmem>>, vector<1x16xf32>,
        %get3A_520 = vector.shape_cast %get3A_519 : vector<1x16xf32> to vector<16xf32>
        %max3A_521 = arith.maximumf %max3A_510, %get3A_520 : vector<16xf32>
        %mul3A_522 = arith.constant 4 : i32
        %mul3A_523 = arith.muli %scan3A_398, %mul3A_522 : i32
        %add3A_524 = arith.constant 200 : i32
        %add3A_525 = arith.addi %add3A_524, %mul3A_523 : i32
        %add3A_526 = arith.constant 3 : i32
        %add3A_527 = arith.addi %add3A_525, %add3A_526 : i32
        %get3A_528 = arith.index_cast %add3A_527 : i32 to index
        %get3A_529 = arith.constant 32 : index
        %get3A_530 = tpu.vector_load %arg10[%get3A_528, %get3A_529] {strides = array<i32>} : memref<400x64xf32, #tpu.memory_space<vmem>>, vector<1x16xf32>,
        %get3A_531 = vector.shape_cast %get3A_530 : vector<1x16xf32> to vector<16xf32>
        %max3A_532 = arith.maximumf %max3A_521, %get3A_531 : vector<16xf32>
        %mul3A_533 = arith.constant 4 : i32
        %mul3A_534 = arith.muli %scan3A_398, %mul3A_533 : i32
        %add3A_535 = arith.constant 200 : i32
        %add3A_536 = arith.addi %add3A_535, %mul3A_534 : i32
        %add3A_537 = arith.constant 0 : i32
        %add3A_538 = arith.addi %add3A_536, %add3A_537 : i32
        %get3A_539 = arith.index_cast %add3A_538 : i32 to index
        %get3A_540 = arith.constant 48 : index
        %get3A_541 = tpu.vector_load %arg10[%get3A_539, %get3A_540] {strides = array<i32>} : memref<400x64xf32, #tpu.memory_space<vmem>>, vector<1x16xf32>,
        %get3A_542 = vector.shape_cast %get3A_541 : vector<1x16xf32> to vector<16xf32>
        %max3A_543 = arith.maximumf %scan3A_402, %get3A_542 : vector<16xf32>
        %mul3A_544 = arith.constant 4 : i32
        %mul3A_545 = arith.muli %scan3A_398, %mul3A_544 : i32
        %add3A_546 = arith.constant 200 : i32
        %add3A_547 = arith.addi %add3A_546, %mul3A_545 : i32
        %add3A_548 = arith.constant 1 : i32
        %add3A_549 = arith.addi %add3A_547, %add3A_548 : i32
        %get3A_550 = arith.index_cast %add3A_549 : i32 to index
        %get3A_551 = arith.constant 48 : index
        %get3A_552 = tpu.vector_load %arg10[%get3A_550, %get3A_551] {strides = array<i32>} : memref<400x64xf32, #tpu.memory_space<vmem>>, vector<1x16xf32>,
        %get3A_553 = vector.shape_cast %get3A_552 : vector<1x16xf32> to vector<16xf32>
        %max3A_554 = arith.maximumf %max3A_543, %get3A_553 : vector<16xf32>
        %mul3A_555 = arith.constant 4 : i32
        %mul3A_556 = arith.muli %scan3A_398, %mul3A_555 : i32
        %add3A_557 = arith.constant 200 : i32
        %add3A_558 = arith.addi %add3A_557, %mul3A_556 : i32
        %add3A_559 = arith.constant 2 : i32
        %add3A_560 = arith.addi %add3A_558, %add3A_559 : i32
        %get3A_561 = arith.index_cast %add3A_560 : i32 to index
        %get3A_562 = arith.constant 48 : index
        %get3A_563 = tpu.vector_load %arg10[%get3A_561, %get3A_562] {strides = array<i32>} : memref<400x64xf32, #tpu.memory_space<vmem>>, vector<1x16xf32>,
        %get3A_564 = vector.shape_cast %get3A_563 : vector<1x16xf32> to vector<16xf32>
        %max3A_565 = arith.maximumf %max3A_554, %get3A_564 : vector<16xf32>
        %mul3A_566 = arith.constant 4 : i32
        %mul3A_567 = arith.muli %scan3A_398, %mul3A_566 : i32
        %add3A_568 = arith.constant 200 : i32
        %add3A_569 = arith.addi %add3A_568, %mul3A_567 : i32
        %add3A_570 = arith.constant 3 : i32
        %add3A_571 = arith.addi %add3A_569, %add3A_570 : i32
        %get3A_572 = arith.index_cast %add3A_571 : i32 to index
        %get3A_573 = arith.constant 48 : index
        %get3A_574 = tpu.vector_load %arg10[%get3A_572, %get3A_573] {strides = array<i32>} : memref<400x64xf32, #tpu.memory_space<vmem>>, vector<1x16xf32>,
        %get3A_575 = vector.shape_cast %get3A_574 : vector<1x16xf32> to vector<16xf32>
        %max3A_576 = arith.maximumf %max3A_565, %get3A_575 : vector<16xf32>
        scf.yield %max3A_444, %max3A_488, %max3A_532, %max3A_576 : vector<16xf32>, vector<16xf32>, vector<16xf32>, vector<16xf32>
      }
      %scan3A_193 = arith.constant 50 : i32
      %swap3A_194 = arith.constant 1 : i32
      %swap3A_195 = arith.index_cast %swap3A_194 : i32 to index
      %swap3A_196 = arith.constant 0 : index
      %swap3A_197 = tpu.vector_load %arg13[%swap3A_195, %swap3A_196] {strides = array<i32>} : memref<2x64xf32, #tpu.memory_space<vmem>>, vector<1x16xf32>,
      %swap3A_198 = vector.shape_cast %swap3A_197 : vector<1x16xf32> to vector<16xf32>
      %swap3A_199 = vector.shape_cast %scan3A_192#0 : vector<16xf32> to vector<1x16xf32>
      tpu.vector_store %arg13[%swap3A_195, %swap3A_196], %swap3A_199 {strides = array<i32>} : memref<2x64xf32, #tpu.memory_space<vmem>>, vector<1x16xf32>,
      %swap3A_200 = arith.constant 1 : i32
      %swap3A_201 = arith.index_cast %swap3A_200 : i32 to index
      %swap3A_202 = arith.constant 16 : index
      %swap3A_203 = tpu.vector_load %arg13[%swap3A_201, %swap3A_202] {strides = array<i32>} : memref<2x64xf32, #tpu.memory_space<vmem>>, vector<1x16xf32>,
      %swap3A_204 = vector.shape_cast %swap3A_203 : vector<1x16xf32> to vector<16xf32>
      %swap3A_205 = vector.shape_cast %scan3A_192#1 : vector<16xf32> to vector<1x16xf32>
      tpu.vector_store %arg13[%swap3A_201, %swap3A_202], %swap3A_205 {strides = array<i32>} : memref<2x64xf32, #tpu.memory_space<vmem>>, vector<1x16xf32>,
      %swap3A_206 = arith.constant 1 : i32
      %swap3A_207 = arith.index_cast %swap3A_206 : i32 to index
      %swap3A_208 = arith.constant 32 : index
      %swap3A_209 = tpu.vector_load %arg13[%swap3A_207, %swap3A_208] {strides = array<i32>} : memref<2x64xf32, #tpu.memory_space<vmem>>, vector<1x16xf32>,
      %swap3A_210 = vector.shape_cast %swap3A_209 : vector<1x16xf32> to vector<16xf32>
      %swap3A_211 = vector.shape_cast %scan3A_192#2 : vector<16xf32> to vector<1x16xf32>
      tpu.vector_store %arg13[%swap3A_207, %swap3A_208], %swap3A_211 {strides = array<i32>} : memref<2x64xf32, #tpu.memory_space<vmem>>, vector<1x16xf32>,
      %swap3A_212 = arith.constant 1 : i32
      %swap3A_213 = arith.index_cast %swap3A_212 : i32 to index
      %swap3A_214 = arith.constant 48 : index
      %swap3A_215 = tpu.vector_load %arg13[%swap3A_213, %swap3A_214] {strides = array<i32>} : memref<2x64xf32, #tpu.memory_space<vmem>>, vector<1x16xf32>,
      %swap3A_216 = vector.shape_cast %swap3A_215 : vector<1x16xf32> to vector<16xf32>
      %swap3A_217 = vector.shape_cast %scan3A_192#3 : vector<16xf32> to vector<1x16xf32>
      tpu.vector_store %arg13[%swap3A_213, %swap3A_214], %swap3A_217 {strides = array<i32>} : memref<2x64xf32, #tpu.memory_space<vmem>>, vector<1x16xf32>,
      "tpu.region"() ({
        %run_scoped3A = tpu.sem_alloc : memref<!tpu.dma_semaphore, #tpu.memory_space<semaphore_mem>>
        %dma_start3A_398 = arith.constant 0 : i32
        %dma_start3A_399 = tpu.memref_slice %arg4[%add3A_153, %dma_start3A_398] : memref<16384x64xf32, #tpu.memory_space<hbm>> -> memref<2x64xf32, #tpu.memory_space<hbm>>
        %dma_start3A_400 = arith.constant 0 : i32
        %dma_start3A_401 = tpu.memref_slice %arg4[%add3A_153, %dma_start3A_400] : memref<16384x64xf32, #tpu.memory_space<hbm>> -> memref<2x64xf32, #tpu.memory_space<hbm>>
        tpu.enqueue_dma source(%arg13 : memref<2x64xf32, #tpu.memory_space<vmem>>) target(%dma_start3A_401 : memref<2x64xf32, #tpu.memory_space<hbm>>) target_semaphore(%run_scoped3A : memref<!tpu.dma_semaphore, #tpu.memory_space<semaphore_mem>>)
        %dma_wait3A_402 = arith.constant 0 : i32
        %dma_wait3A_403 = tpu.memref_slice %arg4[%add3A_153, %dma_wait3A_402] : memref<16384x64xf32, #tpu.memory_space<hbm>> -> memref<2x64xf32, #tpu.memory_space<hbm>>
        %dma_wait3A_404 = arith.constant 0 : i32
        %dma_wait3A_405 = tpu.memref_slice %arg4[%add3A_153, %dma_wait3A_404] : memref<16384x64xf32, #tpu.memory_space<hbm>> -> memref<2x64xf32, #tpu.memory_space<hbm>>
        tpu.wait_dma2 semaphore(%run_scoped3A : memref<!tpu.dma_semaphore, #tpu.memory_space<semaphore_mem>>) src(%arg13 : memref<2x64xf32, #tpu.memory_space<vmem>>) dst(%dma_wait3A_405 : memref<2x64xf32, #tpu.memory_space<hbm>>)
        tpu.yield
      }) : () -> ()
      %mul3A_218 = arith.constant 4 : i32
      %mul3A_219 = arith.muli %mul3A_218, %scan3A_43 : i32
      %add3A_220 = arith.constant 2 : i32
      %add3A_221 = arith.addi %mul3A_219, %add3A_220 : i32
      %add3A_222 = arith.constant 4 : i32
      %add3A_223 = arith.addi %add3A_221, %add3A_222 : i32
      %sub3A_224 = arith.constant 1 : i32
      %sub3A_225 = arith.subi %add3A_223, %sub3A_224 : i32
      %lt3A_226 = arith.constant 256 : i32
      %lt3A_227 = arith.cmpi slt, %sub3A_225, %lt3A_226 : i32
      %convert_element_type3A_228 = arith.extui %lt3A_227 : i1 to i32
      %cond3A_229 = arith.constant 0 : i32
      %cond3A_230 = arith.cmpi ne, %convert_element_type3A_228, %cond3A_229 : i32
      scf.if %cond3A_230 {
        %dma_wait3A_398 = arith.constant 0 : i32
        %dma_wait3A_399 = tpu.memref_slice %arg2[%dma_wait3A_398] : memref<3276800xi32, #tpu.memory_space<hbm>> -> memref<400xi32, #tpu.memory_space<hbm>>
        %dma_wait3A_400 = arith.constant 0 : i32
        %dma_wait3A_401 = tpu.memref_slice %arg2[%dma_wait3A_400] : memref<3276800xi32, #tpu.memory_space<hbm>> -> memref<400xi32, #tpu.memory_space<hbm>>
        tpu.wait_dma2 semaphore(%arg15 : memref<!tpu.dma_semaphore, #tpu.memory_space<semaphore_mem>>) src(%dma_wait3A_401 : memref<400xi32, #tpu.memory_space<hbm>>) dst(%arg6 : memref<400xi32, #tpu.memory_space<vmem>>)
        %dma_start3A_402 = arith.constant 0 : i32
        %dma_start3A_403 = arith.constant 0 : i32
        %dma_start3A_404 = tpu.memref_slice %arg3[%dma_start3A_402, %dma_start3A_403] : memref<1000000x64xf32, #tpu.memory_space<hbm>> -> memref<1000000x64xf32, #tpu.memory_space<hbm>>
        tpu.enqueue_indirect_dma source(%dma_start3A_404 : memref<1000000x64xf32, #tpu.memory_space<hbm>>) target(%arg10 : memref<400x64xf32, #tpu.memory_space<vmem>>) offsets(%arg6 : memref<400xi32, #tpu.memory_space<vmem>>) semaphore(%arg19 : memref<!tpu.dma_semaphore, #tpu.memory_space<semaphore_mem>>)
      } else {
      }
      %dma_wait3A_231 = arith.constant 0 : i32
      %dma_wait3A_232 = arith.constant 0 : i32
      %dma_wait3A_233 = tpu.memref_slice %arg3[%dma_wait3A_231, %dma_wait3A_232] : memref<1000000x64xf32, #tpu.memory_space<hbm>> -> memref<1000000x64xf32, #tpu.memory_space<hbm>>
      tpu.wait_indirect_dma semaphore(%arg20 : memref<!tpu.dma_semaphore, #tpu.memory_space<semaphore_mem>>) src(%dma_wait3A_233 : memref<1000000x64xf32, #tpu.memory_space<hbm>>) dst(%arg11 : memref<400x64xf32, #tpu.memory_space<vmem>>)
      %add3A_234 = arith.constant 4 : i32
      %add3A_235 = arith.addi %add3A_221, %add3A_234 : i32
      %lt3A_236 = arith.constant 256 : i32
      %lt3A_237 = arith.cmpi slt, %add3A_235, %lt3A_236 : i32
      %convert_element_type3A_238 = arith.extui %lt3A_237 : i1 to i32
      %cond3A_239 = arith.constant 0 : i32
      %cond3A_240 = arith.cmpi ne, %convert_element_type3A_238, %cond3A_239 : i32
      scf.if %cond3A_240 {
        %add3A_398 = arith.constant 4 : i32
        %add3A_399 = arith.addi %add3A_221, %add3A_398 : i32
        %mul3A_400 = arith.constant 2 : i32
        %mul3A_401 = arith.muli %add3A_399, %mul3A_400 : i32
        %add3A_402 = arith.addi %mul3A_2, %mul3A_401 : i32
        %mul3A_403 = arith.constant 200 : i32
        %mul3A_404 = arith.muli %mul3A_403, %add3A_402 : i32
        %dma_start3A_405 = tpu.memref_slice %arg2[%mul3A_404] : memref<3276800xi32, #tpu.memory_space<hbm>> -> memref<400xi32, #tpu.memory_space<hbm>>
        %dma_start3A_406 = tpu.memref_slice %arg2[%mul3A_404] : memref<3276800xi32, #tpu.memory_space<hbm>> -> memref<400xi32, #tpu.memory_space<hbm>>
        tpu.enqueue_dma source(%dma_start3A_406 : memref<400xi32, #tpu.memory_space<hbm>>) target(%arg7 : memref<400xi32, #tpu.memory_space<vmem>>) target_semaphore(%arg16 : memref<!tpu.dma_semaphore, #tpu.memory_space<semaphore_mem>>)
      } else {
      }
      %mul3A_241 = arith.constant 2 : i32
      %mul3A_242 = arith.muli %add3A_221, %mul3A_241 : i32
      %add3A_243 = arith.addi %mul3A_2, %mul3A_242 : i32
      %broadcast_in_dim3A_244 = arith.constant 0xFF800000 : f32
      %broadcast_in_dim3A_245 = vector.broadcast %broadcast_in_dim3A_244 : f32 to vector<16xf32>
      %scan3A_246 = arith.constant 0 : i32
      %scan3A_247 = arith.constant 50 : i32
      %scan3A_248 = arith.addi %scan3A_246, %scan3A_247 : i32
      %scan3A_249 = arith.constant 1 : i32
      %scan3A_250:4 = scf.for %scan3A_398 = %scan3A_246 to %scan3A_248 step %scan3A_249 iter_args(%scan3A_399 = %broadcast_in_dim3A_245, %scan3A_400 = %broadcast_in_dim3A_245, %scan3A_401 = %broadcast_in_dim3A_245, %scan3A_402 = %broadcast_in_dim3A_245) -> (vector<16xf32>, vector<16xf32>, vector<16xf32>, vector<16xf32>)  : i32 {
        %mul3A_403 = arith.constant 4 : i32
        %mul3A_404 = arith.muli %scan3A_398, %mul3A_403 : i32
        %add3A_405 = arith.constant 0 : i32
        %add3A_406 = arith.addi %add3A_405, %mul3A_404 : i32
        %add3A_407 = arith.constant 0 : i32
        %add3A_408 = arith.addi %add3A_406, %add3A_407 : i32
        %get3A = arith.index_cast %add3A_408 : i32 to index
        %get3A_409 = arith.constant 0 : index
        %get3A_410 = tpu.vector_load %arg11[%get3A, %get3A_409] {strides = array<i32>} : memref<400x64xf32, #tpu.memory_space<vmem>>, vector<1x16xf32>,
        %get3A_411 = vector.shape_cast %get3A_410 : vector<1x16xf32> to vector<16xf32>
        %max3A = arith.maximumf %scan3A_399, %get3A_411 : vector<16xf32>
        %mul3A_412 = arith.constant 4 : i32
        %mul3A_413 = arith.muli %scan3A_398, %mul3A_412 : i32
        %add3A_414 = arith.constant 0 : i32
        %add3A_415 = arith.addi %add3A_414, %mul3A_413 : i32
        %add3A_416 = arith.constant 1 : i32
        %add3A_417 = arith.addi %add3A_415, %add3A_416 : i32
        %get3A_418 = arith.index_cast %add3A_417 : i32 to index
        %get3A_419 = arith.constant 0 : index
        %get3A_420 = tpu.vector_load %arg11[%get3A_418, %get3A_419] {strides = array<i32>} : memref<400x64xf32, #tpu.memory_space<vmem>>, vector<1x16xf32>,
        %get3A_421 = vector.shape_cast %get3A_420 : vector<1x16xf32> to vector<16xf32>
        %max3A_422 = arith.maximumf %max3A, %get3A_421 : vector<16xf32>
        %mul3A_423 = arith.constant 4 : i32
        %mul3A_424 = arith.muli %scan3A_398, %mul3A_423 : i32
        %add3A_425 = arith.constant 0 : i32
        %add3A_426 = arith.addi %add3A_425, %mul3A_424 : i32
        %add3A_427 = arith.constant 2 : i32
        %add3A_428 = arith.addi %add3A_426, %add3A_427 : i32
        %get3A_429 = arith.index_cast %add3A_428 : i32 to index
        %get3A_430 = arith.constant 0 : index
        %get3A_431 = tpu.vector_load %arg11[%get3A_429, %get3A_430] {strides = array<i32>} : memref<400x64xf32, #tpu.memory_space<vmem>>, vector<1x16xf32>,
        %get3A_432 = vector.shape_cast %get3A_431 : vector<1x16xf32> to vector<16xf32>
        %max3A_433 = arith.maximumf %max3A_422, %get3A_432 : vector<16xf32>
        %mul3A_434 = arith.constant 4 : i32
        %mul3A_435 = arith.muli %scan3A_398, %mul3A_434 : i32
        %add3A_436 = arith.constant 0 : i32
        %add3A_437 = arith.addi %add3A_436, %mul3A_435 : i32
        %add3A_438 = arith.constant 3 : i32
        %add3A_439 = arith.addi %add3A_437, %add3A_438 : i32
        %get3A_440 = arith.index_cast %add3A_439 : i32 to index
        %get3A_441 = arith.constant 0 : index
        %get3A_442 = tpu.vector_load %arg11[%get3A_440, %get3A_441] {strides = array<i32>} : memref<400x64xf32, #tpu.memory_space<vmem>>, vector<1x16xf32>,
        %get3A_443 = vector.shape_cast %get3A_442 : vector<1x16xf32> to vector<16xf32>
        %max3A_444 = arith.maximumf %max3A_433, %get3A_443 : vector<16xf32>
        %mul3A_445 = arith.constant 4 : i32
        %mul3A_446 = arith.muli %scan3A_398, %mul3A_445 : i32
        %add3A_447 = arith.constant 0 : i32
        %add3A_448 = arith.addi %add3A_447, %mul3A_446 : i32
        %add3A_449 = arith.constant 0 : i32
        %add3A_450 = arith.addi %add3A_448, %add3A_449 : i32
        %get3A_451 = arith.index_cast %add3A_450 : i32 to index
        %get3A_452 = arith.constant 16 : index
        %get3A_453 = tpu.vector_load %arg11[%get3A_451, %get3A_452] {strides = array<i32>} : memref<400x64xf32, #tpu.memory_space<vmem>>, vector<1x16xf32>,
        %get3A_454 = vector.shape_cast %get3A_453 : vector<1x16xf32> to vector<16xf32>
        %max3A_455 = arith.maximumf %scan3A_400, %get3A_454 : vector<16xf32>
        %mul3A_456 = arith.constant 4 : i32
        %mul3A_457 = arith.muli %scan3A_398, %mul3A_456 : i32
        %add3A_458 = arith.constant 0 : i32
        %add3A_459 = arith.addi %add3A_458, %mul3A_457 : i32
        %add3A_460 = arith.constant 1 : i32
        %add3A_461 = arith.addi %add3A_459, %add3A_460 : i32
        %get3A_462 = arith.index_cast %add3A_461 : i32 to index
        %get3A_463 = arith.constant 16 : index
        %get3A_464 = tpu.vector_load %arg11[%get3A_462, %get3A_463] {strides = array<i32>} : memref<400x64xf32, #tpu.memory_space<vmem>>, vector<1x16xf32>,
        %get3A_465 = vector.shape_cast %get3A_464 : vector<1x16xf32> to vector<16xf32>
        %max3A_466 = arith.maximumf %max3A_455, %get3A_465 : vector<16xf32>
        %mul3A_467 = arith.constant 4 : i32
        %mul3A_468 = arith.muli %scan3A_398, %mul3A_467 : i32
        %add3A_469 = arith.constant 0 : i32
        %add3A_470 = arith.addi %add3A_469, %mul3A_468 : i32
        %add3A_471 = arith.constant 2 : i32
        %add3A_472 = arith.addi %add3A_470, %add3A_471 : i32
        %get3A_473 = arith.index_cast %add3A_472 : i32 to index
        %get3A_474 = arith.constant 16 : index
        %get3A_475 = tpu.vector_load %arg11[%get3A_473, %get3A_474] {strides = array<i32>} : memref<400x64xf32, #tpu.memory_space<vmem>>, vector<1x16xf32>,
        %get3A_476 = vector.shape_cast %get3A_475 : vector<1x16xf32> to vector<16xf32>
        %max3A_477 = arith.maximumf %max3A_466, %get3A_476 : vector<16xf32>
        %mul3A_478 = arith.constant 4 : i32
        %mul3A_479 = arith.muli %scan3A_398, %mul3A_478 : i32
        %add3A_480 = arith.constant 0 : i32
        %add3A_481 = arith.addi %add3A_480, %mul3A_479 : i32
        %add3A_482 = arith.constant 3 : i32
        %add3A_483 = arith.addi %add3A_481, %add3A_482 : i32
        %get3A_484 = arith.index_cast %add3A_483 : i32 to index
        %get3A_485 = arith.constant 16 : index
        %get3A_486 = tpu.vector_load %arg11[%get3A_484, %get3A_485] {strides = array<i32>} : memref<400x64xf32, #tpu.memory_space<vmem>>, vector<1x16xf32>,
        %get3A_487 = vector.shape_cast %get3A_486 : vector<1x16xf32> to vector<16xf32>
        %max3A_488 = arith.maximumf %max3A_477, %get3A_487 : vector<16xf32>
        %mul3A_489 = arith.constant 4 : i32
        %mul3A_490 = arith.muli %scan3A_398, %mul3A_489 : i32
        %add3A_491 = arith.constant 0 : i32
        %add3A_492 = arith.addi %add3A_491, %mul3A_490 : i32
        %add3A_493 = arith.constant 0 : i32
        %add3A_494 = arith.addi %add3A_492, %add3A_493 : i32
        %get3A_495 = arith.index_cast %add3A_494 : i32 to index
        %get3A_496 = arith.constant 32 : index
        %get3A_497 = tpu.vector_load %arg11[%get3A_495, %get3A_496] {strides = array<i32>} : memref<400x64xf32, #tpu.memory_space<vmem>>, vector<1x16xf32>,
        %get3A_498 = vector.shape_cast %get3A_497 : vector<1x16xf32> to vector<16xf32>
        %max3A_499 = arith.maximumf %scan3A_401, %get3A_498 : vector<16xf32>
        %mul3A_500 = arith.constant 4 : i32
        %mul3A_501 = arith.muli %scan3A_398, %mul3A_500 : i32
        %add3A_502 = arith.constant 0 : i32
        %add3A_503 = arith.addi %add3A_502, %mul3A_501 : i32
        %add3A_504 = arith.constant 1 : i32
        %add3A_505 = arith.addi %add3A_503, %add3A_504 : i32
        %get3A_506 = arith.index_cast %add3A_505 : i32 to index
        %get3A_507 = arith.constant 32 : index
        %get3A_508 = tpu.vector_load %arg11[%get3A_506, %get3A_507] {strides = array<i32>} : memref<400x64xf32, #tpu.memory_space<vmem>>, vector<1x16xf32>,
        %get3A_509 = vector.shape_cast %get3A_508 : vector<1x16xf32> to vector<16xf32>
        %max3A_510 = arith.maximumf %max3A_499, %get3A_509 : vector<16xf32>
        %mul3A_511 = arith.constant 4 : i32
        %mul3A_512 = arith.muli %scan3A_398, %mul3A_511 : i32
        %add3A_513 = arith.constant 0 : i32
        %add3A_514 = arith.addi %add3A_513, %mul3A_512 : i32
        %add3A_515 = arith.constant 2 : i32
        %add3A_516 = arith.addi %add3A_514, %add3A_515 : i32
        %get3A_517 = arith.index_cast %add3A_516 : i32 to index
        %get3A_518 = arith.constant 32 : index
        %get3A_519 = tpu.vector_load %arg11[%get3A_517, %get3A_518] {strides = array<i32>} : memref<400x64xf32, #tpu.memory_space<vmem>>, vector<1x16xf32>,
        %get3A_520 = vector.shape_cast %get3A_519 : vector<1x16xf32> to vector<16xf32>
        %max3A_521 = arith.maximumf %max3A_510, %get3A_520 : vector<16xf32>
        %mul3A_522 = arith.constant 4 : i32
        %mul3A_523 = arith.muli %scan3A_398, %mul3A_522 : i32
        %add3A_524 = arith.constant 0 : i32
        %add3A_525 = arith.addi %add3A_524, %mul3A_523 : i32
        %add3A_526 = arith.constant 3 : i32
        %add3A_527 = arith.addi %add3A_525, %add3A_526 : i32
        %get3A_528 = arith.index_cast %add3A_527 : i32 to index
        %get3A_529 = arith.constant 32 : index
        %get3A_530 = tpu.vector_load %arg11[%get3A_528, %get3A_529] {strides = array<i32>} : memref<400x64xf32, #tpu.memory_space<vmem>>, vector<1x16xf32>,
        %get3A_531 = vector.shape_cast %get3A_530 : vector<1x16xf32> to vector<16xf32>
        %max3A_532 = arith.maximumf %max3A_521, %get3A_531 : vector<16xf32>
        %mul3A_533 = arith.constant 4 : i32
        %mul3A_534 = arith.muli %scan3A_398, %mul3A_533 : i32
        %add3A_535 = arith.constant 0 : i32
        %add3A_536 = arith.addi %add3A_535, %mul3A_534 : i32
        %add3A_537 = arith.constant 0 : i32
        %add3A_538 = arith.addi %add3A_536, %add3A_537 : i32
        %get3A_539 = arith.index_cast %add3A_538 : i32 to index
        %get3A_540 = arith.constant 48 : index
        %get3A_541 = tpu.vector_load %arg11[%get3A_539, %get3A_540] {strides = array<i32>} : memref<400x64xf32, #tpu.memory_space<vmem>>, vector<1x16xf32>,
        %get3A_542 = vector.shape_cast %get3A_541 : vector<1x16xf32> to vector<16xf32>
        %max3A_543 = arith.maximumf %scan3A_402, %get3A_542 : vector<16xf32>
        %mul3A_544 = arith.constant 4 : i32
        %mul3A_545 = arith.muli %scan3A_398, %mul3A_544 : i32
        %add3A_546 = arith.constant 0 : i32
        %add3A_547 = arith.addi %add3A_546, %mul3A_545 : i32
        %add3A_548 = arith.constant 1 : i32
        %add3A_549 = arith.addi %add3A_547, %add3A_548 : i32
        %get3A_550 = arith.index_cast %add3A_549 : i32 to index
        %get3A_551 = arith.constant 48 : index
        %get3A_552 = tpu.vector_load %arg11[%get3A_550, %get3A_551] {strides = array<i32>} : memref<400x64xf32, #tpu.memory_space<vmem>>, vector<1x16xf32>,
        %get3A_553 = vector.shape_cast %get3A_552 : vector<1x16xf32> to vector<16xf32>
        %max3A_554 = arith.maximumf %max3A_543, %get3A_553 : vector<16xf32>
        %mul3A_555 = arith.constant 4 : i32
        %mul3A_556 = arith.muli %scan3A_398, %mul3A_555 : i32
        %add3A_557 = arith.constant 0 : i32
        %add3A_558 = arith.addi %add3A_557, %mul3A_556 : i32
        %add3A_559 = arith.constant 2 : i32
        %add3A_560 = arith.addi %add3A_558, %add3A_559 : i32
        %get3A_561 = arith.index_cast %add3A_560 : i32 to index
        %get3A_562 = arith.constant 48 : index
        %get3A_563 = tpu.vector_load %arg11[%get3A_561, %get3A_562] {strides = array<i32>} : memref<400x64xf32, #tpu.memory_space<vmem>>, vector<1x16xf32>,
        %get3A_564 = vector.shape_cast %get3A_563 : vector<1x16xf32> to vector<16xf32>
        %max3A_565 = arith.maximumf %max3A_554, %get3A_564 : vector<16xf32>
        %mul3A_566 = arith.constant 4 : i32
        %mul3A_567 = arith.muli %scan3A_398, %mul3A_566 : i32
        %add3A_568 = arith.constant 0 : i32
        %add3A_569 = arith.addi %add3A_568, %mul3A_567 : i32
        %add3A_570 = arith.constant 3 : i32
        %add3A_571 = arith.addi %add3A_569, %add3A_570 : i32
        %get3A_572 = arith.index_cast %add3A_571 : i32 to index
        %get3A_573 = arith.constant 48 : index
        %get3A_574 = tpu.vector_load %arg11[%get3A_572, %get3A_573] {strides = array<i32>} : memref<400x64xf32, #tpu.memory_space<vmem>>, vector<1x16xf32>,
        %get3A_575 = vector.shape_cast %get3A_574 : vector<1x16xf32> to vector<16xf32>
        %max3A_576 = arith.maximumf %max3A_565, %get3A_575 : vector<16xf32>
        scf.yield %max3A_444, %max3A_488, %max3A_532, %max3A_576 : vector<16xf32>, vector<16xf32>, vector<16xf32>, vector<16xf32>
      }
      %scan3A_251 = arith.constant 50 : i32
      %swap3A_252 = arith.constant 0 : i32
      %swap3A_253 = arith.index_cast %swap3A_252 : i32 to index
      %swap3A_254 = arith.constant 0 : index
      %swap3A_255 = tpu.vector_load %arg13[%swap3A_253, %swap3A_254] {strides = array<i32>} : memref<2x64xf32, #tpu.memory_space<vmem>>, vector<1x16xf32>,
      %swap3A_256 = vector.shape_cast %swap3A_255 : vector<1x16xf32> to vector<16xf32>
      %swap3A_257 = vector.shape_cast %scan3A_250#0 : vector<16xf32> to vector<1x16xf32>
      tpu.vector_store %arg13[%swap3A_253, %swap3A_254], %swap3A_257 {strides = array<i32>} : memref<2x64xf32, #tpu.memory_space<vmem>>, vector<1x16xf32>,
      %swap3A_258 = arith.constant 0 : i32
      %swap3A_259 = arith.index_cast %swap3A_258 : i32 to index
      %swap3A_260 = arith.constant 16 : index
      %swap3A_261 = tpu.vector_load %arg13[%swap3A_259, %swap3A_260] {strides = array<i32>} : memref<2x64xf32, #tpu.memory_space<vmem>>, vector<1x16xf32>,
      %swap3A_262 = vector.shape_cast %swap3A_261 : vector<1x16xf32> to vector<16xf32>
      %swap3A_263 = vector.shape_cast %scan3A_250#1 : vector<16xf32> to vector<1x16xf32>
      tpu.vector_store %arg13[%swap3A_259, %swap3A_260], %swap3A_263 {strides = array<i32>} : memref<2x64xf32, #tpu.memory_space<vmem>>, vector<1x16xf32>,
      %swap3A_264 = arith.constant 0 : i32
      %swap3A_265 = arith.index_cast %swap3A_264 : i32 to index
      %swap3A_266 = arith.constant 32 : index
      %swap3A_267 = tpu.vector_load %arg13[%swap3A_265, %swap3A_266] {strides = array<i32>} : memref<2x64xf32, #tpu.memory_space<vmem>>, vector<1x16xf32>,
      %swap3A_268 = vector.shape_cast %swap3A_267 : vector<1x16xf32> to vector<16xf32>
      %swap3A_269 = vector.shape_cast %scan3A_250#2 : vector<16xf32> to vector<1x16xf32>
      tpu.vector_store %arg13[%swap3A_265, %swap3A_266], %swap3A_269 {strides = array<i32>} : memref<2x64xf32, #tpu.memory_space<vmem>>, vector<1x16xf32>,
      %swap3A_270 = arith.constant 0 : i32
      %swap3A_271 = arith.index_cast %swap3A_270 : i32 to index
      %swap3A_272 = arith.constant 48 : index
      %swap3A_273 = tpu.vector_load %arg13[%swap3A_271, %swap3A_272] {strides = array<i32>} : memref<2x64xf32, #tpu.memory_space<vmem>>, vector<1x16xf32>,
      %swap3A_274 = vector.shape_cast %swap3A_273 : vector<1x16xf32> to vector<16xf32>
      %swap3A_275 = vector.shape_cast %scan3A_250#3 : vector<16xf32> to vector<1x16xf32>
      tpu.vector_store %arg13[%swap3A_271, %swap3A_272], %swap3A_275 {strides = array<i32>} : memref<2x64xf32, #tpu.memory_space<vmem>>, vector<1x16xf32>,
      %broadcast_in_dim3A_276 = arith.constant 0xFF800000 : f32
      %broadcast_in_dim3A_277 = vector.broadcast %broadcast_in_dim3A_276 : f32 to vector<16xf32>
      %scan3A_278 = arith.constant 0 : i32
      %scan3A_279 = arith.constant 50 : i32
      %scan3A_280 = arith.addi %scan3A_278, %scan3A_279 : i32
      %scan3A_281 = arith.constant 1 : i32
      %scan3A_282:4 = scf.for %scan3A_398 = %scan3A_278 to %scan3A_280 step %scan3A_281 iter_args(%scan3A_399 = %broadcast_in_dim3A_277, %scan3A_400 = %broadcast_in_dim3A_277, %scan3A_401 = %broadcast_in_dim3A_277, %scan3A_402 = %broadcast_in_dim3A_277) -> (vector<16xf32>, vector<16xf32>, vector<16xf32>, vector<16xf32>)  : i32 {
        %mul3A_403 = arith.constant 4 : i32
        %mul3A_404 = arith.muli %scan3A_398, %mul3A_403 : i32
        %add3A_405 = arith.constant 200 : i32
        %add3A_406 = arith.addi %add3A_405, %mul3A_404 : i32
        %add3A_407 = arith.constant 0 : i32
        %add3A_408 = arith.addi %add3A_406, %add3A_407 : i32
        %get3A = arith.index_cast %add3A_408 : i32 to index
        %get3A_409 = arith.constant 0 : index
        %get3A_410 = tpu.vector_load %arg11[%get3A, %get3A_409] {strides = array<i32>} : memref<400x64xf32, #tpu.memory_space<vmem>>, vector<1x16xf32>,
        %get3A_411 = vector.shape_cast %get3A_410 : vector<1x16xf32> to vector<16xf32>
        %max3A = arith.maximumf %scan3A_399, %get3A_411 : vector<16xf32>
        %mul3A_412 = arith.constant 4 : i32
        %mul3A_413 = arith.muli %scan3A_398, %mul3A_412 : i32
        %add3A_414 = arith.constant 200 : i32
        %add3A_415 = arith.addi %add3A_414, %mul3A_413 : i32
        %add3A_416 = arith.constant 1 : i32
        %add3A_417 = arith.addi %add3A_415, %add3A_416 : i32
        %get3A_418 = arith.index_cast %add3A_417 : i32 to index
        %get3A_419 = arith.constant 0 : index
        %get3A_420 = tpu.vector_load %arg11[%get3A_418, %get3A_419] {strides = array<i32>} : memref<400x64xf32, #tpu.memory_space<vmem>>, vector<1x16xf32>,
        %get3A_421 = vector.shape_cast %get3A_420 : vector<1x16xf32> to vector<16xf32>
        %max3A_422 = arith.maximumf %max3A, %get3A_421 : vector<16xf32>
        %mul3A_423 = arith.constant 4 : i32
        %mul3A_424 = arith.muli %scan3A_398, %mul3A_423 : i32
        %add3A_425 = arith.constant 200 : i32
        %add3A_426 = arith.addi %add3A_425, %mul3A_424 : i32
        %add3A_427 = arith.constant 2 : i32
        %add3A_428 = arith.addi %add3A_426, %add3A_427 : i32
        %get3A_429 = arith.index_cast %add3A_428 : i32 to index
        %get3A_430 = arith.constant 0 : index
        %get3A_431 = tpu.vector_load %arg11[%get3A_429, %get3A_430] {strides = array<i32>} : memref<400x64xf32, #tpu.memory_space<vmem>>, vector<1x16xf32>,
        %get3A_432 = vector.shape_cast %get3A_431 : vector<1x16xf32> to vector<16xf32>
        %max3A_433 = arith.maximumf %max3A_422, %get3A_432 : vector<16xf32>
        %mul3A_434 = arith.constant 4 : i32
        %mul3A_435 = arith.muli %scan3A_398, %mul3A_434 : i32
        %add3A_436 = arith.constant 200 : i32
        %add3A_437 = arith.addi %add3A_436, %mul3A_435 : i32
        %add3A_438 = arith.constant 3 : i32
        %add3A_439 = arith.addi %add3A_437, %add3A_438 : i32
        %get3A_440 = arith.index_cast %add3A_439 : i32 to index
        %get3A_441 = arith.constant 0 : index
        %get3A_442 = tpu.vector_load %arg11[%get3A_440, %get3A_441] {strides = array<i32>} : memref<400x64xf32, #tpu.memory_space<vmem>>, vector<1x16xf32>,
        %get3A_443 = vector.shape_cast %get3A_442 : vector<1x16xf32> to vector<16xf32>
        %max3A_444 = arith.maximumf %max3A_433, %get3A_443 : vector<16xf32>
        %mul3A_445 = arith.constant 4 : i32
        %mul3A_446 = arith.muli %scan3A_398, %mul3A_445 : i32
        %add3A_447 = arith.constant 200 : i32
        %add3A_448 = arith.addi %add3A_447, %mul3A_446 : i32
        %add3A_449 = arith.constant 0 : i32
        %add3A_450 = arith.addi %add3A_448, %add3A_449 : i32
        %get3A_451 = arith.index_cast %add3A_450 : i32 to index
        %get3A_452 = arith.constant 16 : index
        %get3A_453 = tpu.vector_load %arg11[%get3A_451, %get3A_452] {strides = array<i32>} : memref<400x64xf32, #tpu.memory_space<vmem>>, vector<1x16xf32>,
        %get3A_454 = vector.shape_cast %get3A_453 : vector<1x16xf32> to vector<16xf32>
        %max3A_455 = arith.maximumf %scan3A_400, %get3A_454 : vector<16xf32>
        %mul3A_456 = arith.constant 4 : i32
        %mul3A_457 = arith.muli %scan3A_398, %mul3A_456 : i32
        %add3A_458 = arith.constant 200 : i32
        %add3A_459 = arith.addi %add3A_458, %mul3A_457 : i32
        %add3A_460 = arith.constant 1 : i32
        %add3A_461 = arith.addi %add3A_459, %add3A_460 : i32
        %get3A_462 = arith.index_cast %add3A_461 : i32 to index
        %get3A_463 = arith.constant 16 : index
        %get3A_464 = tpu.vector_load %arg11[%get3A_462, %get3A_463] {strides = array<i32>} : memref<400x64xf32, #tpu.memory_space<vmem>>, vector<1x16xf32>,
        %get3A_465 = vector.shape_cast %get3A_464 : vector<1x16xf32> to vector<16xf32>
        %max3A_466 = arith.maximumf %max3A_455, %get3A_465 : vector<16xf32>
        %mul3A_467 = arith.constant 4 : i32
        %mul3A_468 = arith.muli %scan3A_398, %mul3A_467 : i32
        %add3A_469 = arith.constant 200 : i32
        %add3A_470 = arith.addi %add3A_469, %mul3A_468 : i32
        %add3A_471 = arith.constant 2 : i32
        %add3A_472 = arith.addi %add3A_470, %add3A_471 : i32
        %get3A_473 = arith.index_cast %add3A_472 : i32 to index
        %get3A_474 = arith.constant 16 : index
        %get3A_475 = tpu.vector_load %arg11[%get3A_473, %get3A_474] {strides = array<i32>} : memref<400x64xf32, #tpu.memory_space<vmem>>, vector<1x16xf32>,
        %get3A_476 = vector.shape_cast %get3A_475 : vector<1x16xf32> to vector<16xf32>
        %max3A_477 = arith.maximumf %max3A_466, %get3A_476 : vector<16xf32>
        %mul3A_478 = arith.constant 4 : i32
        %mul3A_479 = arith.muli %scan3A_398, %mul3A_478 : i32
        %add3A_480 = arith.constant 200 : i32
        %add3A_481 = arith.addi %add3A_480, %mul3A_479 : i32
        %add3A_482 = arith.constant 3 : i32
        %add3A_483 = arith.addi %add3A_481, %add3A_482 : i32
        %get3A_484 = arith.index_cast %add3A_483 : i32 to index
        %get3A_485 = arith.constant 16 : index
        %get3A_486 = tpu.vector_load %arg11[%get3A_484, %get3A_485] {strides = array<i32>} : memref<400x64xf32, #tpu.memory_space<vmem>>, vector<1x16xf32>,
        %get3A_487 = vector.shape_cast %get3A_486 : vector<1x16xf32> to vector<16xf32>
        %max3A_488 = arith.maximumf %max3A_477, %get3A_487 : vector<16xf32>
        %mul3A_489 = arith.constant 4 : i32
        %mul3A_490 = arith.muli %scan3A_398, %mul3A_489 : i32
        %add3A_491 = arith.constant 200 : i32
        %add3A_492 = arith.addi %add3A_491, %mul3A_490 : i32
        %add3A_493 = arith.constant 0 : i32
        %add3A_494 = arith.addi %add3A_492, %add3A_493 : i32
        %get3A_495 = arith.index_cast %add3A_494 : i32 to index
        %get3A_496 = arith.constant 32 : index
        %get3A_497 = tpu.vector_load %arg11[%get3A_495, %get3A_496] {strides = array<i32>} : memref<400x64xf32, #tpu.memory_space<vmem>>, vector<1x16xf32>,
        %get3A_498 = vector.shape_cast %get3A_497 : vector<1x16xf32> to vector<16xf32>
        %max3A_499 = arith.maximumf %scan3A_401, %get3A_498 : vector<16xf32>
        %mul3A_500 = arith.constant 4 : i32
        %mul3A_501 = arith.muli %scan3A_398, %mul3A_500 : i32
        %add3A_502 = arith.constant 200 : i32
        %add3A_503 = arith.addi %add3A_502, %mul3A_501 : i32
        %add3A_504 = arith.constant 1 : i32
        %add3A_505 = arith.addi %add3A_503, %add3A_504 : i32
        %get3A_506 = arith.index_cast %add3A_505 : i32 to index
        %get3A_507 = arith.constant 32 : index
        %get3A_508 = tpu.vector_load %arg11[%get3A_506, %get3A_507] {strides = array<i32>} : memref<400x64xf32, #tpu.memory_space<vmem>>, vector<1x16xf32>,
        %get3A_509 = vector.shape_cast %get3A_508 : vector<1x16xf32> to vector<16xf32>
        %max3A_510 = arith.maximumf %max3A_499, %get3A_509 : vector<16xf32>
        %mul3A_511 = arith.constant 4 : i32
        %mul3A_512 = arith.muli %scan3A_398, %mul3A_511 : i32
        %add3A_513 = arith.constant 200 : i32
        %add3A_514 = arith.addi %add3A_513, %mul3A_512 : i32
        %add3A_515 = arith.constant 2 : i32
        %add3A_516 = arith.addi %add3A_514, %add3A_515 : i32
        %get3A_517 = arith.index_cast %add3A_516 : i32 to index
        %get3A_518 = arith.constant 32 : index
        %get3A_519 = tpu.vector_load %arg11[%get3A_517, %get3A_518] {strides = array<i32>} : memref<400x64xf32, #tpu.memory_space<vmem>>, vector<1x16xf32>,
        %get3A_520 = vector.shape_cast %get3A_519 : vector<1x16xf32> to vector<16xf32>
        %max3A_521 = arith.maximumf %max3A_510, %get3A_520 : vector<16xf32>
        %mul3A_522 = arith.constant 4 : i32
        %mul3A_523 = arith.muli %scan3A_398, %mul3A_522 : i32
        %add3A_524 = arith.constant 200 : i32
        %add3A_525 = arith.addi %add3A_524, %mul3A_523 : i32
        %add3A_526 = arith.constant 3 : i32
        %add3A_527 = arith.addi %add3A_525, %add3A_526 : i32
        %get3A_528 = arith.index_cast %add3A_527 : i32 to index
        %get3A_529 = arith.constant 32 : index
        %get3A_530 = tpu.vector_load %arg11[%get3A_528, %get3A_529] {strides = array<i32>} : memref<400x64xf32, #tpu.memory_space<vmem>>, vector<1x16xf32>,
        %get3A_531 = vector.shape_cast %get3A_530 : vector<1x16xf32> to vector<16xf32>
        %max3A_532 = arith.maximumf %max3A_521, %get3A_531 : vector<16xf32>
        %mul3A_533 = arith.constant 4 : i32
        %mul3A_534 = arith.muli %scan3A_398, %mul3A_533 : i32
        %add3A_535 = arith.constant 200 : i32
        %add3A_536 = arith.addi %add3A_535, %mul3A_534 : i32
        %add3A_537 = arith.constant 0 : i32
        %add3A_538 = arith.addi %add3A_536, %add3A_537 : i32
        %get3A_539 = arith.index_cast %add3A_538 : i32 to index
        %get3A_540 = arith.constant 48 : index
        %get3A_541 = tpu.vector_load %arg11[%get3A_539, %get3A_540] {strides = array<i32>} : memref<400x64xf32, #tpu.memory_space<vmem>>, vector<1x16xf32>,
        %get3A_542 = vector.shape_cast %get3A_541 : vector<1x16xf32> to vector<16xf32>
        %max3A_543 = arith.maximumf %scan3A_402, %get3A_542 : vector<16xf32>
        %mul3A_544 = arith.constant 4 : i32
        %mul3A_545 = arith.muli %scan3A_398, %mul3A_544 : i32
        %add3A_546 = arith.constant 200 : i32
        %add3A_547 = arith.addi %add3A_546, %mul3A_545 : i32
        %add3A_548 = arith.constant 1 : i32
        %add3A_549 = arith.addi %add3A_547, %add3A_548 : i32
        %get3A_550 = arith.index_cast %add3A_549 : i32 to index
        %get3A_551 = arith.constant 48 : index
        %get3A_552 = tpu.vector_load %arg11[%get3A_550, %get3A_551] {strides = array<i32>} : memref<400x64xf32, #tpu.memory_space<vmem>>, vector<1x16xf32>,
        %get3A_553 = vector.shape_cast %get3A_552 : vector<1x16xf32> to vector<16xf32>
        %max3A_554 = arith.maximumf %max3A_543, %get3A_553 : vector<16xf32>
        %mul3A_555 = arith.constant 4 : i32
        %mul3A_556 = arith.muli %scan3A_398, %mul3A_555 : i32
        %add3A_557 = arith.constant 200 : i32
        %add3A_558 = arith.addi %add3A_557, %mul3A_556 : i32
        %add3A_559 = arith.constant 2 : i32
        %add3A_560 = arith.addi %add3A_558, %add3A_559 : i32
        %get3A_561 = arith.index_cast %add3A_560 : i32 to index
        %get3A_562 = arith.constant 48 : index
        %get3A_563 = tpu.vector_load %arg11[%get3A_561, %get3A_562] {strides = array<i32>} : memref<400x64xf32, #tpu.memory_space<vmem>>, vector<1x16xf32>,
        %get3A_564 = vector.shape_cast %get3A_563 : vector<1x16xf32> to vector<16xf32>
        %max3A_565 = arith.maximumf %max3A_554, %get3A_564 : vector<16xf32>
        %mul3A_566 = arith.constant 4 : i32
        %mul3A_567 = arith.muli %scan3A_398, %mul3A_566 : i32
        %add3A_568 = arith.constant 200 : i32
        %add3A_569 = arith.addi %add3A_568, %mul3A_567 : i32
        %add3A_570 = arith.constant 3 : i32
        %add3A_571 = arith.addi %add3A_569, %add3A_570 : i32
        %get3A_572 = arith.index_cast %add3A_571 : i32 to index
        %get3A_573 = arith.constant 48 : index
        %get3A_574 = tpu.vector_load %arg11[%get3A_572, %get3A_573] {strides = array<i32>} : memref<400x64xf32, #tpu.memory_space<vmem>>, vector<1x16xf32>,
        %get3A_575 = vector.shape_cast %get3A_574 : vector<1x16xf32> to vector<16xf32>
        %max3A_576 = arith.maximumf %max3A_565, %get3A_575 : vector<16xf32>
        scf.yield %max3A_444, %max3A_488, %max3A_532, %max3A_576 : vector<16xf32>, vector<16xf32>, vector<16xf32>, vector<16xf32>
      }
      %scan3A_283 = arith.constant 50 : i32
      %swap3A_284 = arith.constant 1 : i32
      %swap3A_285 = arith.index_cast %swap3A_284 : i32 to index
      %swap3A_286 = arith.constant 0 : index
      %swap3A_287 = tpu.vector_load %arg13[%swap3A_285, %swap3A_286] {strides = array<i32>} : memref<2x64xf32, #tpu.memory_space<vmem>>, vector<1x16xf32>,
      %swap3A_288 = vector.shape_cast %swap3A_287 : vector<1x16xf32> to vector<16xf32>
      %swap3A_289 = vector.shape_cast %scan3A_282#0 : vector<16xf32> to vector<1x16xf32>
      tpu.vector_store %arg13[%swap3A_285, %swap3A_286], %swap3A_289 {strides = array<i32>} : memref<2x64xf32, #tpu.memory_space<vmem>>, vector<1x16xf32>,
      %swap3A_290 = arith.constant 1 : i32
      %swap3A_291 = arith.index_cast %swap3A_290 : i32 to index
      %swap3A_292 = arith.constant 16 : index
      %swap3A_293 = tpu.vector_load %arg13[%swap3A_291, %swap3A_292] {strides = array<i32>} : memref<2x64xf32, #tpu.memory_space<vmem>>, vector<1x16xf32>,
      %swap3A_294 = vector.shape_cast %swap3A_293 : vector<1x16xf32> to vector<16xf32>
      %swap3A_295 = vector.shape_cast %scan3A_282#1 : vector<16xf32> to vector<1x16xf32>
      tpu.vector_store %arg13[%swap3A_291, %swap3A_292], %swap3A_295 {strides = array<i32>} : memref<2x64xf32, #tpu.memory_space<vmem>>, vector<1x16xf32>,
      %swap3A_296 = arith.constant 1 : i32
      %swap3A_297 = arith.index_cast %swap3A_296 : i32 to index
      %swap3A_298 = arith.constant 32 : index
      %swap3A_299 = tpu.vector_load %arg13[%swap3A_297, %swap3A_298] {strides = array<i32>} : memref<2x64xf32, #tpu.memory_space<vmem>>, vector<1x16xf32>,
      %swap3A_300 = vector.shape_cast %swap3A_299 : vector<1x16xf32> to vector<16xf32>
      %swap3A_301 = vector.shape_cast %scan3A_282#2 : vector<16xf32> to vector<1x16xf32>
      tpu.vector_store %arg13[%swap3A_297, %swap3A_298], %swap3A_301 {strides = array<i32>} : memref<2x64xf32, #tpu.memory_space<vmem>>, vector<1x16xf32>,
      %swap3A_302 = arith.constant 1 : i32
      %swap3A_303 = arith.index_cast %swap3A_302 : i32 to index
      %swap3A_304 = arith.constant 48 : index
      %swap3A_305 = tpu.vector_load %arg13[%swap3A_303, %swap3A_304] {strides = array<i32>} : memref<2x64xf32, #tpu.memory_space<vmem>>, vector<1x16xf32>,
      %swap3A_306 = vector.shape_cast %swap3A_305 : vector<1x16xf32> to vector<16xf32>
      %swap3A_307 = vector.shape_cast %scan3A_282#3 : vector<16xf32> to vector<1x16xf32>
      tpu.vector_store %arg13[%swap3A_303, %swap3A_304], %swap3A_307 {strides = array<i32>} : memref<2x64xf32, #tpu.memory_space<vmem>>, vector<1x16xf32>,
      "tpu.region"() ({
        %run_scoped3A = tpu.sem_alloc : memref<!tpu.dma_semaphore, #tpu.memory_space<semaphore_mem>>
        %dma_start3A_398 = arith.constant 0 : i32
        %dma_start3A_399 = tpu.memref_slice %arg4[%add3A_243, %dma_start3A_398] : memref<16384x64xf32, #tpu.memory_space<hbm>> -> memref<2x64xf32, #tpu.memory_space<hbm>>
        %dma_start3A_400 = arith.constant 0 : i32
        %dma_start3A_401 = tpu.memref_slice %arg4[%add3A_243, %dma_start3A_400] : memref<16384x64xf32, #tpu.memory_space<hbm>> -> memref<2x64xf32, #tpu.memory_space<hbm>>
        tpu.enqueue_dma source(%arg13 : memref<2x64xf32, #tpu.memory_space<vmem>>) target(%dma_start3A_401 : memref<2x64xf32, #tpu.memory_space<hbm>>) target_semaphore(%run_scoped3A : memref<!tpu.dma_semaphore, #tpu.memory_space<semaphore_mem>>)
        %dma_wait3A_402 = arith.constant 0 : i32
        %dma_wait3A_403 = tpu.memref_slice %arg4[%add3A_243, %dma_wait3A_402] : memref<16384x64xf32, #tpu.memory_space<hbm>> -> memref<2x64xf32, #tpu.memory_space<hbm>>
        %dma_wait3A_404 = arith.constant 0 : i32
        %dma_wait3A_405 = tpu.memref_slice %arg4[%add3A_243, %dma_wait3A_404] : memref<16384x64xf32, #tpu.memory_space<hbm>> -> memref<2x64xf32, #tpu.memory_space<hbm>>
        tpu.wait_dma2 semaphore(%run_scoped3A : memref<!tpu.dma_semaphore, #tpu.memory_space<semaphore_mem>>) src(%arg13 : memref<2x64xf32, #tpu.memory_space<vmem>>) dst(%dma_wait3A_405 : memref<2x64xf32, #tpu.memory_space<hbm>>)
        tpu.yield
      }) : () -> ()
      %mul3A_308 = arith.constant 4 : i32
      %mul3A_309 = arith.muli %mul3A_308, %scan3A_43 : i32
      %add3A_310 = arith.constant 3 : i32
      %add3A_311 = arith.addi %mul3A_309, %add3A_310 : i32
      %add3A_312 = arith.constant 4 : i32
      %add3A_313 = arith.addi %add3A_311, %add3A_312 : i32
      %sub3A_314 = arith.constant 1 : i32
      %sub3A_315 = arith.subi %add3A_313, %sub3A_314 : i32
      %lt3A_316 = arith.constant 256 : i32
      %lt3A_317 = arith.cmpi slt, %sub3A_315, %lt3A_316 : i32
      %convert_element_type3A_318 = arith.extui %lt3A_317 : i1 to i32
      %cond3A_319 = arith.constant 0 : i32
      %cond3A_320 = arith.cmpi ne, %convert_element_type3A_318, %cond3A_319 : i32
      scf.if %cond3A_320 {
        %dma_wait3A_398 = arith.constant 0 : i32
        %dma_wait3A_399 = tpu.memref_slice %arg2[%dma_wait3A_398] : memref<3276800xi32, #tpu.memory_space<hbm>> -> memref<400xi32, #tpu.memory_space<hbm>>
        %dma_wait3A_400 = arith.constant 0 : i32
        %dma_wait3A_401 = tpu.memref_slice %arg2[%dma_wait3A_400] : memref<3276800xi32, #tpu.memory_space<hbm>> -> memref<400xi32, #tpu.memory_space<hbm>>
        tpu.wait_dma2 semaphore(%arg16 : memref<!tpu.dma_semaphore, #tpu.memory_space<semaphore_mem>>) src(%dma_wait3A_401 : memref<400xi32, #tpu.memory_space<hbm>>) dst(%arg7 : memref<400xi32, #tpu.memory_space<vmem>>)
        %dma_start3A_402 = arith.constant 0 : i32
        %dma_start3A_403 = arith.constant 0 : i32
        %dma_start3A_404 = tpu.memref_slice %arg3[%dma_start3A_402, %dma_start3A_403] : memref<1000000x64xf32, #tpu.memory_space<hbm>> -> memref<1000000x64xf32, #tpu.memory_space<hbm>>
        tpu.enqueue_indirect_dma source(%dma_start3A_404 : memref<1000000x64xf32, #tpu.memory_space<hbm>>) target(%arg11 : memref<400x64xf32, #tpu.memory_space<vmem>>) offsets(%arg7 : memref<400xi32, #tpu.memory_space<vmem>>) semaphore(%arg20 : memref<!tpu.dma_semaphore, #tpu.memory_space<semaphore_mem>>)
      } else {
      }
      %dma_wait3A_321 = arith.constant 0 : i32
      %dma_wait3A_322 = arith.constant 0 : i32
      %dma_wait3A_323 = tpu.memref_slice %arg3[%dma_wait3A_321, %dma_wait3A_322] : memref<1000000x64xf32, #tpu.memory_space<hbm>> -> memref<1000000x64xf32, #tpu.memory_space<hbm>>
      tpu.wait_indirect_dma semaphore(%arg21 : memref<!tpu.dma_semaphore, #tpu.memory_space<semaphore_mem>>) src(%dma_wait3A_323 : memref<1000000x64xf32, #tpu.memory_space<hbm>>) dst(%arg12 : memref<400x64xf32, #tpu.memory_space<vmem>>)
      %add3A_324 = arith.constant 4 : i32
      %add3A_325 = arith.addi %add3A_311, %add3A_324 : i32
      %lt3A_326 = arith.constant 256 : i32
      %lt3A_327 = arith.cmpi slt, %add3A_325, %lt3A_326 : i32
      %convert_element_type3A_328 = arith.extui %lt3A_327 : i1 to i32
      %cond3A_329 = arith.constant 0 : i32
      %cond3A_330 = arith.cmpi ne, %convert_element_type3A_328, %cond3A_329 : i32
      scf.if %cond3A_330 {
        %add3A_398 = arith.constant 4 : i32
        %add3A_399 = arith.addi %add3A_311, %add3A_398 : i32
        %mul3A_400 = arith.constant 2 : i32
        %mul3A_401 = arith.muli %add3A_399, %mul3A_400 : i32
        %add3A_402 = arith.addi %mul3A_2, %mul3A_401 : i32
        %mul3A_403 = arith.constant 200 : i32
        %mul3A_404 = arith.muli %mul3A_403, %add3A_402 : i32
        %dma_start3A_405 = tpu.memref_slice %arg2[%mul3A_404] : memref<3276800xi32, #tpu.memory_space<hbm>> -> memref<400xi32, #tpu.memory_space<hbm>>
        %dma_start3A_406 = tpu.memref_slice %arg2[%mul3A_404] : memref<3276800xi32, #tpu.memory_space<hbm>> -> memref<400xi32, #tpu.memory_space<hbm>>
        tpu.enqueue_dma source(%dma_start3A_406 : memref<400xi32, #tpu.memory_space<hbm>>) target(%arg8 : memref<400xi32, #tpu.memory_space<vmem>>) target_semaphore(%arg17 : memref<!tpu.dma_semaphore, #tpu.memory_space<semaphore_mem>>)
      } else {
      }
      %mul3A_331 = arith.constant 2 : i32
      %mul3A_332 = arith.muli %add3A_311, %mul3A_331 : i32
      %add3A_333 = arith.addi %mul3A_2, %mul3A_332 : i32
      %broadcast_in_dim3A_334 = arith.constant 0xFF800000 : f32
      %broadcast_in_dim3A_335 = vector.broadcast %broadcast_in_dim3A_334 : f32 to vector<16xf32>
      %scan3A_336 = arith.constant 0 : i32
      %scan3A_337 = arith.constant 50 : i32
      %scan3A_338 = arith.addi %scan3A_336, %scan3A_337 : i32
      %scan3A_339 = arith.constant 1 : i32
      %scan3A_340:4 = scf.for %scan3A_398 = %scan3A_336 to %scan3A_338 step %scan3A_339 iter_args(%scan3A_399 = %broadcast_in_dim3A_335, %scan3A_400 = %broadcast_in_dim3A_335, %scan3A_401 = %broadcast_in_dim3A_335, %scan3A_402 = %broadcast_in_dim3A_335) -> (vector<16xf32>, vector<16xf32>, vector<16xf32>, vector<16xf32>)  : i32 {
        %mul3A_403 = arith.constant 4 : i32
        %mul3A_404 = arith.muli %scan3A_398, %mul3A_403 : i32
        %add3A_405 = arith.constant 0 : i32
        %add3A_406 = arith.addi %add3A_405, %mul3A_404 : i32
        %add3A_407 = arith.constant 0 : i32
        %add3A_408 = arith.addi %add3A_406, %add3A_407 : i32
        %get3A = arith.index_cast %add3A_408 : i32 to index
        %get3A_409 = arith.constant 0 : index
        %get3A_410 = tpu.vector_load %arg12[%get3A, %get3A_409] {strides = array<i32>} : memref<400x64xf32, #tpu.memory_space<vmem>>, vector<1x16xf32>,
        %get3A_411 = vector.shape_cast %get3A_410 : vector<1x16xf32> to vector<16xf32>
        %max3A = arith.maximumf %scan3A_399, %get3A_411 : vector<16xf32>
        %mul3A_412 = arith.constant 4 : i32
        %mul3A_413 = arith.muli %scan3A_398, %mul3A_412 : i32
        %add3A_414 = arith.constant 0 : i32
        %add3A_415 = arith.addi %add3A_414, %mul3A_413 : i32
        %add3A_416 = arith.constant 1 : i32
        %add3A_417 = arith.addi %add3A_415, %add3A_416 : i32
        %get3A_418 = arith.index_cast %add3A_417 : i32 to index
        %get3A_419 = arith.constant 0 : index
        %get3A_420 = tpu.vector_load %arg12[%get3A_418, %get3A_419] {strides = array<i32>} : memref<400x64xf32, #tpu.memory_space<vmem>>, vector<1x16xf32>,
        %get3A_421 = vector.shape_cast %get3A_420 : vector<1x16xf32> to vector<16xf32>
        %max3A_422 = arith.maximumf %max3A, %get3A_421 : vector<16xf32>
        %mul3A_423 = arith.constant 4 : i32
        %mul3A_424 = arith.muli %scan3A_398, %mul3A_423 : i32
        %add3A_425 = arith.constant 0 : i32
        %add3A_426 = arith.addi %add3A_425, %mul3A_424 : i32
        %add3A_427 = arith.constant 2 : i32
        %add3A_428 = arith.addi %add3A_426, %add3A_427 : i32
        %get3A_429 = arith.index_cast %add3A_428 : i32 to index
        %get3A_430 = arith.constant 0 : index
        %get3A_431 = tpu.vector_load %arg12[%get3A_429, %get3A_430] {strides = array<i32>} : memref<400x64xf32, #tpu.memory_space<vmem>>, vector<1x16xf32>,
        %get3A_432 = vector.shape_cast %get3A_431 : vector<1x16xf32> to vector<16xf32>
        %max3A_433 = arith.maximumf %max3A_422, %get3A_432 : vector<16xf32>
        %mul3A_434 = arith.constant 4 : i32
        %mul3A_435 = arith.muli %scan3A_398, %mul3A_434 : i32
        %add3A_436 = arith.constant 0 : i32
        %add3A_437 = arith.addi %add3A_436, %mul3A_435 : i32
        %add3A_438 = arith.constant 3 : i32
        %add3A_439 = arith.addi %add3A_437, %add3A_438 : i32
        %get3A_440 = arith.index_cast %add3A_439 : i32 to index
        %get3A_441 = arith.constant 0 : index
        %get3A_442 = tpu.vector_load %arg12[%get3A_440, %get3A_441] {strides = array<i32>} : memref<400x64xf32, #tpu.memory_space<vmem>>, vector<1x16xf32>,
        %get3A_443 = vector.shape_cast %get3A_442 : vector<1x16xf32> to vector<16xf32>
        %max3A_444 = arith.maximumf %max3A_433, %get3A_443 : vector<16xf32>
        %mul3A_445 = arith.constant 4 : i32
        %mul3A_446 = arith.muli %scan3A_398, %mul3A_445 : i32
        %add3A_447 = arith.constant 0 : i32
        %add3A_448 = arith.addi %add3A_447, %mul3A_446 : i32
        %add3A_449 = arith.constant 0 : i32
        %add3A_450 = arith.addi %add3A_448, %add3A_449 : i32
        %get3A_451 = arith.index_cast %add3A_450 : i32 to index
        %get3A_452 = arith.constant 16 : index
        %get3A_453 = tpu.vector_load %arg12[%get3A_451, %get3A_452] {strides = array<i32>} : memref<400x64xf32, #tpu.memory_space<vmem>>, vector<1x16xf32>,
        %get3A_454 = vector.shape_cast %get3A_453 : vector<1x16xf32> to vector<16xf32>
        %max3A_455 = arith.maximumf %scan3A_400, %get3A_454 : vector<16xf32>
        %mul3A_456 = arith.constant 4 : i32
        %mul3A_457 = arith.muli %scan3A_398, %mul3A_456 : i32
        %add3A_458 = arith.constant 0 : i32
        %add3A_459 = arith.addi %add3A_458, %mul3A_457 : i32
        %add3A_460 = arith.constant 1 : i32
        %add3A_461 = arith.addi %add3A_459, %add3A_460 : i32
        %get3A_462 = arith.index_cast %add3A_461 : i32 to index
        %get3A_463 = arith.constant 16 : index
        %get3A_464 = tpu.vector_load %arg12[%get3A_462, %get3A_463] {strides = array<i32>} : memref<400x64xf32, #tpu.memory_space<vmem>>, vector<1x16xf32>,
        %get3A_465 = vector.shape_cast %get3A_464 : vector<1x16xf32> to vector<16xf32>
        %max3A_466 = arith.maximumf %max3A_455, %get3A_465 : vector<16xf32>
        %mul3A_467 = arith.constant 4 : i32
        %mul3A_468 = arith.muli %scan3A_398, %mul3A_467 : i32
        %add3A_469 = arith.constant 0 : i32
        %add3A_470 = arith.addi %add3A_469, %mul3A_468 : i32
        %add3A_471 = arith.constant 2 : i32
        %add3A_472 = arith.addi %add3A_470, %add3A_471 : i32
        %get3A_473 = arith.index_cast %add3A_472 : i32 to index
        %get3A_474 = arith.constant 16 : index
        %get3A_475 = tpu.vector_load %arg12[%get3A_473, %get3A_474] {strides = array<i32>} : memref<400x64xf32, #tpu.memory_space<vmem>>, vector<1x16xf32>,
        %get3A_476 = vector.shape_cast %get3A_475 : vector<1x16xf32> to vector<16xf32>
        %max3A_477 = arith.maximumf %max3A_466, %get3A_476 : vector<16xf32>
        %mul3A_478 = arith.constant 4 : i32
        %mul3A_479 = arith.muli %scan3A_398, %mul3A_478 : i32
        %add3A_480 = arith.constant 0 : i32
        %add3A_481 = arith.addi %add3A_480, %mul3A_479 : i32
        %add3A_482 = arith.constant 3 : i32
        %add3A_483 = arith.addi %add3A_481, %add3A_482 : i32
        %get3A_484 = arith.index_cast %add3A_483 : i32 to index
        %get3A_485 = arith.constant 16 : index
        %get3A_486 = tpu.vector_load %arg12[%get3A_484, %get3A_485] {strides = array<i32>} : memref<400x64xf32, #tpu.memory_space<vmem>>, vector<1x16xf32>,
        %get3A_487 = vector.shape_cast %get3A_486 : vector<1x16xf32> to vector<16xf32>
        %max3A_488 = arith.maximumf %max3A_477, %get3A_487 : vector<16xf32>
        %mul3A_489 = arith.constant 4 : i32
        %mul3A_490 = arith.muli %scan3A_398, %mul3A_489 : i32
        %add3A_491 = arith.constant 0 : i32
        %add3A_492 = arith.addi %add3A_491, %mul3A_490 : i32
        %add3A_493 = arith.constant 0 : i32
        %add3A_494 = arith.addi %add3A_492, %add3A_493 : i32
        %get3A_495 = arith.index_cast %add3A_494 : i32 to index
        %get3A_496 = arith.constant 32 : index
        %get3A_497 = tpu.vector_load %arg12[%get3A_495, %get3A_496] {strides = array<i32>} : memref<400x64xf32, #tpu.memory_space<vmem>>, vector<1x16xf32>,
        %get3A_498 = vector.shape_cast %get3A_497 : vector<1x16xf32> to vector<16xf32>
        %max3A_499 = arith.maximumf %scan3A_401, %get3A_498 : vector<16xf32>
        %mul3A_500 = arith.constant 4 : i32
        %mul3A_501 = arith.muli %scan3A_398, %mul3A_500 : i32
        %add3A_502 = arith.constant 0 : i32
        %add3A_503 = arith.addi %add3A_502, %mul3A_501 : i32
        %add3A_504 = arith.constant 1 : i32
        %add3A_505 = arith.addi %add3A_503, %add3A_504 : i32
        %get3A_506 = arith.index_cast %add3A_505 : i32 to index
        %get3A_507 = arith.constant 32 : index
        %get3A_508 = tpu.vector_load %arg12[%get3A_506, %get3A_507] {strides = array<i32>} : memref<400x64xf32, #tpu.memory_space<vmem>>, vector<1x16xf32>,
        %get3A_509 = vector.shape_cast %get3A_508 : vector<1x16xf32> to vector<16xf32>
        %max3A_510 = arith.maximumf %max3A_499, %get3A_509 : vector<16xf32>
        %mul3A_511 = arith.constant 4 : i32
        %mul3A_512 = arith.muli %scan3A_398, %mul3A_511 : i32
        %add3A_513 = arith.constant 0 : i32
        %add3A_514 = arith.addi %add3A_513, %mul3A_512 : i32
        %add3A_515 = arith.constant 2 : i32
        %add3A_516 = arith.addi %add3A_514, %add3A_515 : i32
        %get3A_517 = arith.index_cast %add3A_516 : i32 to index
        %get3A_518 = arith.constant 32 : index
        %get3A_519 = tpu.vector_load %arg12[%get3A_517, %get3A_518] {strides = array<i32>} : memref<400x64xf32, #tpu.memory_space<vmem>>, vector<1x16xf32>,
        %get3A_520 = vector.shape_cast %get3A_519 : vector<1x16xf32> to vector<16xf32>
        %max3A_521 = arith.maximumf %max3A_510, %get3A_520 : vector<16xf32>
        %mul3A_522 = arith.constant 4 : i32
        %mul3A_523 = arith.muli %scan3A_398, %mul3A_522 : i32
        %add3A_524 = arith.constant 0 : i32
        %add3A_525 = arith.addi %add3A_524, %mul3A_523 : i32
        %add3A_526 = arith.constant 3 : i32
        %add3A_527 = arith.addi %add3A_525, %add3A_526 : i32
        %get3A_528 = arith.index_cast %add3A_527 : i32 to index
        %get3A_529 = arith.constant 32 : index
        %get3A_530 = tpu.vector_load %arg12[%get3A_528, %get3A_529] {strides = array<i32>} : memref<400x64xf32, #tpu.memory_space<vmem>>, vector<1x16xf32>,
        %get3A_531 = vector.shape_cast %get3A_530 : vector<1x16xf32> to vector<16xf32>
        %max3A_532 = arith.maximumf %max3A_521, %get3A_531 : vector<16xf32>
        %mul3A_533 = arith.constant 4 : i32
        %mul3A_534 = arith.muli %scan3A_398, %mul3A_533 : i32
        %add3A_535 = arith.constant 0 : i32
        %add3A_536 = arith.addi %add3A_535, %mul3A_534 : i32
        %add3A_537 = arith.constant 0 : i32
        %add3A_538 = arith.addi %add3A_536, %add3A_537 : i32
        %get3A_539 = arith.index_cast %add3A_538 : i32 to index
        %get3A_540 = arith.constant 48 : index
        %get3A_541 = tpu.vector_load %arg12[%get3A_539, %get3A_540] {strides = array<i32>} : memref<400x64xf32, #tpu.memory_space<vmem>>, vector<1x16xf32>,
        %get3A_542 = vector.shape_cast %get3A_541 : vector<1x16xf32> to vector<16xf32>
        %max3A_543 = arith.maximumf %scan3A_402, %get3A_542 : vector<16xf32>
        %mul3A_544 = arith.constant 4 : i32
        %mul3A_545 = arith.muli %scan3A_398, %mul3A_544 : i32
        %add3A_546 = arith.constant 0 : i32
        %add3A_547 = arith.addi %add3A_546, %mul3A_545 : i32
        %add3A_548 = arith.constant 1 : i32
        %add3A_549 = arith.addi %add3A_547, %add3A_548 : i32
        %get3A_550 = arith.index_cast %add3A_549 : i32 to index
        %get3A_551 = arith.constant 48 : index
        %get3A_552 = tpu.vector_load %arg12[%get3A_550, %get3A_551] {strides = array<i32>} : memref<400x64xf32, #tpu.memory_space<vmem>>, vector<1x16xf32>,
        %get3A_553 = vector.shape_cast %get3A_552 : vector<1x16xf32> to vector<16xf32>
        %max3A_554 = arith.maximumf %max3A_543, %get3A_553 : vector<16xf32>
        %mul3A_555 = arith.constant 4 : i32
        %mul3A_556 = arith.muli %scan3A_398, %mul3A_555 : i32
        %add3A_557 = arith.constant 0 : i32
        %add3A_558 = arith.addi %add3A_557, %mul3A_556 : i32
        %add3A_559 = arith.constant 2 : i32
        %add3A_560 = arith.addi %add3A_558, %add3A_559 : i32
        %get3A_561 = arith.index_cast %add3A_560 : i32 to index
        %get3A_562 = arith.constant 48 : index
        %get3A_563 = tpu.vector_load %arg12[%get3A_561, %get3A_562] {strides = array<i32>} : memref<400x64xf32, #tpu.memory_space<vmem>>, vector<1x16xf32>,
        %get3A_564 = vector.shape_cast %get3A_563 : vector<1x16xf32> to vector<16xf32>
        %max3A_565 = arith.maximumf %max3A_554, %get3A_564 : vector<16xf32>
        %mul3A_566 = arith.constant 4 : i32
        %mul3A_567 = arith.muli %scan3A_398, %mul3A_566 : i32
        %add3A_568 = arith.constant 0 : i32
        %add3A_569 = arith.addi %add3A_568, %mul3A_567 : i32
        %add3A_570 = arith.constant 3 : i32
        %add3A_571 = arith.addi %add3A_569, %add3A_570 : i32
        %get3A_572 = arith.index_cast %add3A_571 : i32 to index
        %get3A_573 = arith.constant 48 : index
        %get3A_574 = tpu.vector_load %arg12[%get3A_572, %get3A_573] {strides = array<i32>} : memref<400x64xf32, #tpu.memory_space<vmem>>, vector<1x16xf32>,
        %get3A_575 = vector.shape_cast %get3A_574 : vector<1x16xf32> to vector<16xf32>
        %max3A_576 = arith.maximumf %max3A_565, %get3A_575 : vector<16xf32>
        scf.yield %max3A_444, %max3A_488, %max3A_532, %max3A_576 : vector<16xf32>, vector<16xf32>, vector<16xf32>, vector<16xf32>
      }
      %scan3A_341 = arith.constant 50 : i32
      %swap3A_342 = arith.constant 0 : i32
      %swap3A_343 = arith.index_cast %swap3A_342 : i32 to index
      %swap3A_344 = arith.constant 0 : index
      %swap3A_345 = tpu.vector_load %arg13[%swap3A_343, %swap3A_344] {strides = array<i32>} : memref<2x64xf32, #tpu.memory_space<vmem>>, vector<1x16xf32>,
      %swap3A_346 = vector.shape_cast %swap3A_345 : vector<1x16xf32> to vector<16xf32>
      %swap3A_347 = vector.shape_cast %scan3A_340#0 : vector<16xf32> to vector<1x16xf32>
      tpu.vector_store %arg13[%swap3A_343, %swap3A_344], %swap3A_347 {strides = array<i32>} : memref<2x64xf32, #tpu.memory_space<vmem>>, vector<1x16xf32>,
      %swap3A_348 = arith.constant 0 : i32
      %swap3A_349 = arith.index_cast %swap3A_348 : i32 to index
      %swap3A_350 = arith.constant 16 : index
      %swap3A_351 = tpu.vector_load %arg13[%swap3A_349, %swap3A_350] {strides = array<i32>} : memref<2x64xf32, #tpu.memory_space<vmem>>, vector<1x16xf32>,
      %swap3A_352 = vector.shape_cast %swap3A_351 : vector<1x16xf32> to vector<16xf32>
      %swap3A_353 = vector.shape_cast %scan3A_340#1 : vector<16xf32> to vector<1x16xf32>
      tpu.vector_store %arg13[%swap3A_349, %swap3A_350], %swap3A_353 {strides = array<i32>} : memref<2x64xf32, #tpu.memory_space<vmem>>, vector<1x16xf32>,
      %swap3A_354 = arith.constant 0 : i32
      %swap3A_355 = arith.index_cast %swap3A_354 : i32 to index
      %swap3A_356 = arith.constant 32 : index
      %swap3A_357 = tpu.vector_load %arg13[%swap3A_355, %swap3A_356] {strides = array<i32>} : memref<2x64xf32, #tpu.memory_space<vmem>>, vector<1x16xf32>,
      %swap3A_358 = vector.shape_cast %swap3A_357 : vector<1x16xf32> to vector<16xf32>
      %swap3A_359 = vector.shape_cast %scan3A_340#2 : vector<16xf32> to vector<1x16xf32>
      tpu.vector_store %arg13[%swap3A_355, %swap3A_356], %swap3A_359 {strides = array<i32>} : memref<2x64xf32, #tpu.memory_space<vmem>>, vector<1x16xf32>,
      %swap3A_360 = arith.constant 0 : i32
      %swap3A_361 = arith.index_cast %swap3A_360 : i32 to index
      %swap3A_362 = arith.constant 48 : index
      %swap3A_363 = tpu.vector_load %arg13[%swap3A_361, %swap3A_362] {strides = array<i32>} : memref<2x64xf32, #tpu.memory_space<vmem>>, vector<1x16xf32>,
      %swap3A_364 = vector.shape_cast %swap3A_363 : vector<1x16xf32> to vector<16xf32>
      %swap3A_365 = vector.shape_cast %scan3A_340#3 : vector<16xf32> to vector<1x16xf32>
      tpu.vector_store %arg13[%swap3A_361, %swap3A_362], %swap3A_365 {strides = array<i32>} : memref<2x64xf32, #tpu.memory_space<vmem>>, vector<1x16xf32>,
      %broadcast_in_dim3A_366 = arith.constant 0xFF800000 : f32
      %broadcast_in_dim3A_367 = vector.broadcast %broadcast_in_dim3A_366 : f32 to vector<16xf32>
      %scan3A_368 = arith.constant 0 : i32
      %scan3A_369 = arith.constant 50 : i32
      %scan3A_370 = arith.addi %scan3A_368, %scan3A_369 : i32
      %scan3A_371 = arith.constant 1 : i32
      %scan3A_372:4 = scf.for %scan3A_398 = %scan3A_368 to %scan3A_370 step %scan3A_371 iter_args(%scan3A_399 = %broadcast_in_dim3A_367, %scan3A_400 = %broadcast_in_dim3A_367, %scan3A_401 = %broadcast_in_dim3A_367, %scan3A_402 = %broadcast_in_dim3A_367) -> (vector<16xf32>, vector<16xf32>, vector<16xf32>, vector<16xf32>)  : i32 {
        %mul3A_403 = arith.constant 4 : i32
        %mul3A_404 = arith.muli %scan3A_398, %mul3A_403 : i32
        %add3A_405 = arith.constant 200 : i32
        %add3A_406 = arith.addi %add3A_405, %mul3A_404 : i32
        %add3A_407 = arith.constant 0 : i32
        %add3A_408 = arith.addi %add3A_406, %add3A_407 : i32
        %get3A = arith.index_cast %add3A_408 : i32 to index
        %get3A_409 = arith.constant 0 : index
        %get3A_410 = tpu.vector_load %arg12[%get3A, %get3A_409] {strides = array<i32>} : memref<400x64xf32, #tpu.memory_space<vmem>>, vector<1x16xf32>,
        %get3A_411 = vector.shape_cast %get3A_410 : vector<1x16xf32> to vector<16xf32>
        %max3A = arith.maximumf %scan3A_399, %get3A_411 : vector<16xf32>
        %mul3A_412 = arith.constant 4 : i32
        %mul3A_413 = arith.muli %scan3A_398, %mul3A_412 : i32
        %add3A_414 = arith.constant 200 : i32
        %add3A_415 = arith.addi %add3A_414, %mul3A_413 : i32
        %add3A_416 = arith.constant 1 : i32
        %add3A_417 = arith.addi %add3A_415, %add3A_416 : i32
        %get3A_418 = arith.index_cast %add3A_417 : i32 to index
        %get3A_419 = arith.constant 0 : index
        %get3A_420 = tpu.vector_load %arg12[%get3A_418, %get3A_419] {strides = array<i32>} : memref<400x64xf32, #tpu.memory_space<vmem>>, vector<1x16xf32>,
        %get3A_421 = vector.shape_cast %get3A_420 : vector<1x16xf32> to vector<16xf32>
        %max3A_422 = arith.maximumf %max3A, %get3A_421 : vector<16xf32>
        %mul3A_423 = arith.constant 4 : i32
        %mul3A_424 = arith.muli %scan3A_398, %mul3A_423 : i32
        %add3A_425 = arith.constant 200 : i32
        %add3A_426 = arith.addi %add3A_425, %mul3A_424 : i32
        %add3A_427 = arith.constant 2 : i32
        %add3A_428 = arith.addi %add3A_426, %add3A_427 : i32
        %get3A_429 = arith.index_cast %add3A_428 : i32 to index
        %get3A_430 = arith.constant 0 : index
        %get3A_431 = tpu.vector_load %arg12[%get3A_429, %get3A_430] {strides = array<i32>} : memref<400x64xf32, #tpu.memory_space<vmem>>, vector<1x16xf32>,
        %get3A_432 = vector.shape_cast %get3A_431 : vector<1x16xf32> to vector<16xf32>
        %max3A_433 = arith.maximumf %max3A_422, %get3A_432 : vector<16xf32>
        %mul3A_434 = arith.constant 4 : i32
        %mul3A_435 = arith.muli %scan3A_398, %mul3A_434 : i32
        %add3A_436 = arith.constant 200 : i32
        %add3A_437 = arith.addi %add3A_436, %mul3A_435 : i32
        %add3A_438 = arith.constant 3 : i32
        %add3A_439 = arith.addi %add3A_437, %add3A_438 : i32
        %get3A_440 = arith.index_cast %add3A_439 : i32 to index
        %get3A_441 = arith.constant 0 : index
        %get3A_442 = tpu.vector_load %arg12[%get3A_440, %get3A_441] {strides = array<i32>} : memref<400x64xf32, #tpu.memory_space<vmem>>, vector<1x16xf32>,
        %get3A_443 = vector.shape_cast %get3A_442 : vector<1x16xf32> to vector<16xf32>
        %max3A_444 = arith.maximumf %max3A_433, %get3A_443 : vector<16xf32>
        %mul3A_445 = arith.constant 4 : i32
        %mul3A_446 = arith.muli %scan3A_398, %mul3A_445 : i32
        %add3A_447 = arith.constant 200 : i32
        %add3A_448 = arith.addi %add3A_447, %mul3A_446 : i32
        %add3A_449 = arith.constant 0 : i32
        %add3A_450 = arith.addi %add3A_448, %add3A_449 : i32
        %get3A_451 = arith.index_cast %add3A_450 : i32 to index
        %get3A_452 = arith.constant 16 : index
        %get3A_453 = tpu.vector_load %arg12[%get3A_451, %get3A_452] {strides = array<i32>} : memref<400x64xf32, #tpu.memory_space<vmem>>, vector<1x16xf32>,
        %get3A_454 = vector.shape_cast %get3A_453 : vector<1x16xf32> to vector<16xf32>
        %max3A_455 = arith.maximumf %scan3A_400, %get3A_454 : vector<16xf32>
        %mul3A_456 = arith.constant 4 : i32
        %mul3A_457 = arith.muli %scan3A_398, %mul3A_456 : i32
        %add3A_458 = arith.constant 200 : i32
        %add3A_459 = arith.addi %add3A_458, %mul3A_457 : i32
        %add3A_460 = arith.constant 1 : i32
        %add3A_461 = arith.addi %add3A_459, %add3A_460 : i32
        %get3A_462 = arith.index_cast %add3A_461 : i32 to index
        %get3A_463 = arith.constant 16 : index
        %get3A_464 = tpu.vector_load %arg12[%get3A_462, %get3A_463] {strides = array<i32>} : memref<400x64xf32, #tpu.memory_space<vmem>>, vector<1x16xf32>,
        %get3A_465 = vector.shape_cast %get3A_464 : vector<1x16xf32> to vector<16xf32>
        %max3A_466 = arith.maximumf %max3A_455, %get3A_465 : vector<16xf32>
        %mul3A_467 = arith.constant 4 : i32
        %mul3A_468 = arith.muli %scan3A_398, %mul3A_467 : i32
        %add3A_469 = arith.constant 200 : i32
        %add3A_470 = arith.addi %add3A_469, %mul3A_468 : i32
        %add3A_471 = arith.constant 2 : i32
        %add3A_472 = arith.addi %add3A_470, %add3A_471 : i32
        %get3A_473 = arith.index_cast %add3A_472 : i32 to index
        %get3A_474 = arith.constant 16 : index
        %get3A_475 = tpu.vector_load %arg12[%get3A_473, %get3A_474] {strides = array<i32>} : memref<400x64xf32, #tpu.memory_space<vmem>>, vector<1x16xf32>,
        %get3A_476 = vector.shape_cast %get3A_475 : vector<1x16xf32> to vector<16xf32>
        %max3A_477 = arith.maximumf %max3A_466, %get3A_476 : vector<16xf32>
        %mul3A_478 = arith.constant 4 : i32
        %mul3A_479 = arith.muli %scan3A_398, %mul3A_478 : i32
        %add3A_480 = arith.constant 200 : i32
        %add3A_481 = arith.addi %add3A_480, %mul3A_479 : i32
        %add3A_482 = arith.constant 3 : i32
        %add3A_483 = arith.addi %add3A_481, %add3A_482 : i32
        %get3A_484 = arith.index_cast %add3A_483 : i32 to index
        %get3A_485 = arith.constant 16 : index
        %get3A_486 = tpu.vector_load %arg12[%get3A_484, %get3A_485] {strides = array<i32>} : memref<400x64xf32, #tpu.memory_space<vmem>>, vector<1x16xf32>,
        %get3A_487 = vector.shape_cast %get3A_486 : vector<1x16xf32> to vector<16xf32>
        %max3A_488 = arith.maximumf %max3A_477, %get3A_487 : vector<16xf32>
        %mul3A_489 = arith.constant 4 : i32
        %mul3A_490 = arith.muli %scan3A_398, %mul3A_489 : i32
        %add3A_491 = arith.constant 200 : i32
        %add3A_492 = arith.addi %add3A_491, %mul3A_490 : i32
        %add3A_493 = arith.constant 0 : i32
        %add3A_494 = arith.addi %add3A_492, %add3A_493 : i32
        %get3A_495 = arith.index_cast %add3A_494 : i32 to index
        %get3A_496 = arith.constant 32 : index
        %get3A_497 = tpu.vector_load %arg12[%get3A_495, %get3A_496] {strides = array<i32>} : memref<400x64xf32, #tpu.memory_space<vmem>>, vector<1x16xf32>,
        %get3A_498 = vector.shape_cast %get3A_497 : vector<1x16xf32> to vector<16xf32>
        %max3A_499 = arith.maximumf %scan3A_401, %get3A_498 : vector<16xf32>
        %mul3A_500 = arith.constant 4 : i32
        %mul3A_501 = arith.muli %scan3A_398, %mul3A_500 : i32
        %add3A_502 = arith.constant 200 : i32
        %add3A_503 = arith.addi %add3A_502, %mul3A_501 : i32
        %add3A_504 = arith.constant 1 : i32
        %add3A_505 = arith.addi %add3A_503, %add3A_504 : i32
        %get3A_506 = arith.index_cast %add3A_505 : i32 to index
        %get3A_507 = arith.constant 32 : index
        %get3A_508 = tpu.vector_load %arg12[%get3A_506, %get3A_507] {strides = array<i32>} : memref<400x64xf32, #tpu.memory_space<vmem>>, vector<1x16xf32>,
        %get3A_509 = vector.shape_cast %get3A_508 : vector<1x16xf32> to vector<16xf32>
        %max3A_510 = arith.maximumf %max3A_499, %get3A_509 : vector<16xf32>
        %mul3A_511 = arith.constant 4 : i32
        %mul3A_512 = arith.muli %scan3A_398, %mul3A_511 : i32
        %add3A_513 = arith.constant 200 : i32
        %add3A_514 = arith.addi %add3A_513, %mul3A_512 : i32
        %add3A_515 = arith.constant 2 : i32
        %add3A_516 = arith.addi %add3A_514, %add3A_515 : i32
        %get3A_517 = arith.index_cast %add3A_516 : i32 to index
        %get3A_518 = arith.constant 32 : index
        %get3A_519 = tpu.vector_load %arg12[%get3A_517, %get3A_518] {strides = array<i32>} : memref<400x64xf32, #tpu.memory_space<vmem>>, vector<1x16xf32>,
        %get3A_520 = vector.shape_cast %get3A_519 : vector<1x16xf32> to vector<16xf32>
        %max3A_521 = arith.maximumf %max3A_510, %get3A_520 : vector<16xf32>
        %mul3A_522 = arith.constant 4 : i32
        %mul3A_523 = arith.muli %scan3A_398, %mul3A_522 : i32
        %add3A_524 = arith.constant 200 : i32
        %add3A_525 = arith.addi %add3A_524, %mul3A_523 : i32
        %add3A_526 = arith.constant 3 : i32
        %add3A_527 = arith.addi %add3A_525, %add3A_526 : i32
        %get3A_528 = arith.index_cast %add3A_527 : i32 to index
        %get3A_529 = arith.constant 32 : index
        %get3A_530 = tpu.vector_load %arg12[%get3A_528, %get3A_529] {strides = array<i32>} : memref<400x64xf32, #tpu.memory_space<vmem>>, vector<1x16xf32>,
        %get3A_531 = vector.shape_cast %get3A_530 : vector<1x16xf32> to vector<16xf32>
        %max3A_532 = arith.maximumf %max3A_521, %get3A_531 : vector<16xf32>
        %mul3A_533 = arith.constant 4 : i32
        %mul3A_534 = arith.muli %scan3A_398, %mul3A_533 : i32
        %add3A_535 = arith.constant 200 : i32
        %add3A_536 = arith.addi %add3A_535, %mul3A_534 : i32
        %add3A_537 = arith.constant 0 : i32
        %add3A_538 = arith.addi %add3A_536, %add3A_537 : i32
        %get3A_539 = arith.index_cast %add3A_538 : i32 to index
        %get3A_540 = arith.constant 48 : index
        %get3A_541 = tpu.vector_load %arg12[%get3A_539, %get3A_540] {strides = array<i32>} : memref<400x64xf32, #tpu.memory_space<vmem>>, vector<1x16xf32>,
        %get3A_542 = vector.shape_cast %get3A_541 : vector<1x16xf32> to vector<16xf32>
        %max3A_543 = arith.maximumf %scan3A_402, %get3A_542 : vector<16xf32>
        %mul3A_544 = arith.constant 4 : i32
        %mul3A_545 = arith.muli %scan3A_398, %mul3A_544 : i32
        %add3A_546 = arith.constant 200 : i32
        %add3A_547 = arith.addi %add3A_546, %mul3A_545 : i32
        %add3A_548 = arith.constant 1 : i32
        %add3A_549 = arith.addi %add3A_547, %add3A_548 : i32
        %get3A_550 = arith.index_cast %add3A_549 : i32 to index
        %get3A_551 = arith.constant 48 : index
        %get3A_552 = tpu.vector_load %arg12[%get3A_550, %get3A_551] {strides = array<i32>} : memref<400x64xf32, #tpu.memory_space<vmem>>, vector<1x16xf32>,
        %get3A_553 = vector.shape_cast %get3A_552 : vector<1x16xf32> to vector<16xf32>
        %max3A_554 = arith.maximumf %max3A_543, %get3A_553 : vector<16xf32>
        %mul3A_555 = arith.constant 4 : i32
        %mul3A_556 = arith.muli %scan3A_398, %mul3A_555 : i32
        %add3A_557 = arith.constant 200 : i32
        %add3A_558 = arith.addi %add3A_557, %mul3A_556 : i32
        %add3A_559 = arith.constant 2 : i32
        %add3A_560 = arith.addi %add3A_558, %add3A_559 : i32
        %get3A_561 = arith.index_cast %add3A_560 : i32 to index
        %get3A_562 = arith.constant 48 : index
        %get3A_563 = tpu.vector_load %arg12[%get3A_561, %get3A_562] {strides = array<i32>} : memref<400x64xf32, #tpu.memory_space<vmem>>, vector<1x16xf32>,
        %get3A_564 = vector.shape_cast %get3A_563 : vector<1x16xf32> to vector<16xf32>
        %max3A_565 = arith.maximumf %max3A_554, %get3A_564 : vector<16xf32>
        %mul3A_566 = arith.constant 4 : i32
        %mul3A_567 = arith.muli %scan3A_398, %mul3A_566 : i32
        %add3A_568 = arith.constant 200 : i32
        %add3A_569 = arith.addi %add3A_568, %mul3A_567 : i32
        %add3A_570 = arith.constant 3 : i32
        %add3A_571 = arith.addi %add3A_569, %add3A_570 : i32
        %get3A_572 = arith.index_cast %add3A_571 : i32 to index
        %get3A_573 = arith.constant 48 : index
        %get3A_574 = tpu.vector_load %arg12[%get3A_572, %get3A_573] {strides = array<i32>} : memref<400x64xf32, #tpu.memory_space<vmem>>, vector<1x16xf32>,
        %get3A_575 = vector.shape_cast %get3A_574 : vector<1x16xf32> to vector<16xf32>
        %max3A_576 = arith.maximumf %max3A_565, %get3A_575 : vector<16xf32>
        scf.yield %max3A_444, %max3A_488, %max3A_532, %max3A_576 : vector<16xf32>, vector<16xf32>, vector<16xf32>, vector<16xf32>
      }
      %scan3A_373 = arith.constant 50 : i32
      %swap3A_374 = arith.constant 1 : i32
      %swap3A_375 = arith.index_cast %swap3A_374 : i32 to index
      %swap3A_376 = arith.constant 0 : index
      %swap3A_377 = tpu.vector_load %arg13[%swap3A_375, %swap3A_376] {strides = array<i32>} : memref<2x64xf32, #tpu.memory_space<vmem>>, vector<1x16xf32>,
      %swap3A_378 = vector.shape_cast %swap3A_377 : vector<1x16xf32> to vector<16xf32>
      %swap3A_379 = vector.shape_cast %scan3A_372#0 : vector<16xf32> to vector<1x16xf32>
      tpu.vector_store %arg13[%swap3A_375, %swap3A_376], %swap3A_379 {strides = array<i32>} : memref<2x64xf32, #tpu.memory_space<vmem>>, vector<1x16xf32>,
      %swap3A_380 = arith.constant 1 : i32
      %swap3A_381 = arith.index_cast %swap3A_380 : i32 to index
      %swap3A_382 = arith.constant 16 : index
      %swap3A_383 = tpu.vector_load %arg13[%swap3A_381, %swap3A_382] {strides = array<i32>} : memref<2x64xf32, #tpu.memory_space<vmem>>, vector<1x16xf32>,
      %swap3A_384 = vector.shape_cast %swap3A_383 : vector<1x16xf32> to vector<16xf32>
      %swap3A_385 = vector.shape_cast %scan3A_372#1 : vector<16xf32> to vector<1x16xf32>
      tpu.vector_store %arg13[%swap3A_381, %swap3A_382], %swap3A_385 {strides = array<i32>} : memref<2x64xf32, #tpu.memory_space<vmem>>, vector<1x16xf32>,
      %swap3A_386 = arith.constant 1 : i32
      %swap3A_387 = arith.index_cast %swap3A_386 : i32 to index
      %swap3A_388 = arith.constant 32 : index
      %swap3A_389 = tpu.vector_load %arg13[%swap3A_387, %swap3A_388] {strides = array<i32>} : memref<2x64xf32, #tpu.memory_space<vmem>>, vector<1x16xf32>,
      %swap3A_390 = vector.shape_cast %swap3A_389 : vector<1x16xf32> to vector<16xf32>
      %swap3A_391 = vector.shape_cast %scan3A_372#2 : vector<16xf32> to vector<1x16xf32>
      tpu.vector_store %arg13[%swap3A_387, %swap3A_388], %swap3A_391 {strides = array<i32>} : memref<2x64xf32, #tpu.memory_space<vmem>>, vector<1x16xf32>,
      %swap3A_392 = arith.constant 1 : i32
      %swap3A_393 = arith.index_cast %swap3A_392 : i32 to index
      %swap3A_394 = arith.constant 48 : index
      %swap3A_395 = tpu.vector_load %arg13[%swap3A_393, %swap3A_394] {strides = array<i32>} : memref<2x64xf32, #tpu.memory_space<vmem>>, vector<1x16xf32>,
      %swap3A_396 = vector.shape_cast %swap3A_395 : vector<1x16xf32> to vector<16xf32>
      %swap3A_397 = vector.shape_cast %scan3A_372#3 : vector<16xf32> to vector<1x16xf32>
      tpu.vector_store %arg13[%swap3A_393, %swap3A_394], %swap3A_397 {strides = array<i32>} : memref<2x64xf32, #tpu.memory_space<vmem>>, vector<1x16xf32>,
      "tpu.region"() ({
        %run_scoped3A = tpu.sem_alloc : memref<!tpu.dma_semaphore, #tpu.memory_space<semaphore_mem>>
        %dma_start3A_398 = arith.constant 0 : i32
        %dma_start3A_399 = tpu.memref_slice %arg4[%add3A_333, %dma_start3A_398] : memref<16384x64xf32, #tpu.memory_space<hbm>> -> memref<2x64xf32, #tpu.memory_space<hbm>>
        %dma_start3A_400 = arith.constant 0 : i32
        %dma_start3A_401 = tpu.memref_slice %arg4[%add3A_333, %dma_start3A_400] : memref<16384x64xf32, #tpu.memory_space<hbm>> -> memref<2x64xf32, #tpu.memory_space<hbm>>
        tpu.enqueue_dma source(%arg13 : memref<2x64xf32, #tpu.memory_space<vmem>>) target(%dma_start3A_401 : memref<2x64xf32, #tpu.memory_space<hbm>>) target_semaphore(%run_scoped3A : memref<!tpu.dma_semaphore, #tpu.memory_space<semaphore_mem>>)
        %dma_wait3A_402 = arith.constant 0 : i32
        %dma_wait3A_403 = tpu.memref_slice %arg4[%add3A_333, %dma_wait3A_402] : memref<16384x64xf32, #tpu.memory_space<hbm>> -> memref<2x64xf32, #tpu.memory_space<hbm>>
        %dma_wait3A_404 = arith.constant 0 : i32
        %dma_wait3A_405 = tpu.memref_slice %arg4[%add3A_333, %dma_wait3A_404] : memref<16384x64xf32, #tpu.memory_space<hbm>> -> memref<2x64xf32, #tpu.memory_space<hbm>>
        tpu.wait_dma2 semaphore(%run_scoped3A : memref<!tpu.dma_semaphore, #tpu.memory_space<semaphore_mem>>) src(%arg13 : memref<2x64xf32, #tpu.memory_space<vmem>>) dst(%dma_wait3A_405 : memref<2x64xf32, #tpu.memory_space<hbm>>)
        tpu.yield
      }) : () -> ()
    }
    %scan3A_42 = arith.constant 64 : i32
    return
  }
}

module attributes {stable_mosaic.version = 14 : i64} {
  func.func @mm(%arg0: i32, %arg1: memref<2048x64xf32, #tpu.memory_space<vmem>>, %arg2: memref<1000x64xf32, #tpu.memory_space<vmem>>, %arg3: memref<1x1000xf32, #tpu.memory_space<vmem>>, %arg4: memref<2048x1000xf32, #tpu.memory_space<vmem>>) attributes {dimension_semantics = [#tpu.dimension_semantics<arbitrary>], iteration_bounds = array<i64: 8>, scalar_prefetch = 0 : i64, scratch_operands = 0 : i64, tpu.core_type = #tpu.core_type<tc>, window_params = [{transform_indices = @transform_0, window_bounds = array<i64: 2048, 64>}, {pipeline_mode = #tpu.pipeline_mode<synchronous>, transform_indices = @transform_1, window_bounds = array<i64: 1000, 64>}, {pipeline_mode = #tpu.pipeline_mode<synchronous>, transform_indices = @transform_2, window_bounds = array<i64: 1, 1000>}, {transform_indices = @transform_3, window_bounds = array<i64: 2048, 1000>}]} {
    %get3A = arith.constant 0 : index
    %get3A_0 = arith.constant 0 : index
    %get3A_1 = vector.load %arg1[%get3A, %get3A_0] : memref<2048x64xf32, #tpu.memory_space<vmem>>, vector<2048x64xf32>
    %get3A_2 = arith.constant 0 : index
    %get3A_3 = arith.constant 0 : index
    %get3A_4 = vector.load %arg2[%get3A_2, %get3A_3] : memref<1000x64xf32, #tpu.memory_space<vmem>>, vector<1000x64xf32>
    %dot_general3A = arith.constant dense<0.000000e+00> : vector<2048x1000xf32>
    %dot_general3A_5 = tpu.matmul %get3A_1, %get3A_4, %dot_general3A {dimension_numbers = #tpu.dot_dimension_numbers<[1], [1], [0], [0], [0, 0, 1, 0], [], []>, transpose_lhs_hint = false} : vector<2048x64xf32>, vector<1000x64xf32>, vector<2048x1000xf32> -> vector<2048x1000xf32>
    %get3A_6 = arith.constant 0 : index
    %get3A_7 = arith.constant 0 : index
    %get3A_8 = vector.load %arg3[%get3A_6, %get3A_7] : memref<1x1000xf32, #tpu.memory_space<vmem>>, vector<1x1000xf32>
    %add3A = vector.broadcast %get3A_8 : vector<1x1000xf32> to vector<2048x1000xf32>
    %add3A_9 = arith.addf %dot_general3A_5, %add3A : vector<2048x1000xf32>
    %swap3A = arith.constant 0 : index
    %swap3A_10 = arith.constant 0 : index
    %swap3A_11 = vector.load %arg4[%swap3A, %swap3A_10] : memref<2048x1000xf32, #tpu.memory_space<vmem>>, vector<2048x1000xf32>
    tpu.vector_store %arg4[%swap3A, %swap3A_10], %add3A_9 {strides = array<i32>} : memref<2048x1000xf32, #tpu.memory_space<vmem>>, vector<2048x1000xf32>,
    return
  }
  func.func @transform_0(%arg0: i32) -> (i32, i32) {
    %c0_i32 = arith.constant 0 : i32
    %c0_i32_0 = arith.constant 0 : i32
    return %arg0, %c0_i32 : i32, i32
  }
  func.func @transform_1(%arg0: i32) -> (i32, i32) {
    %c0_i32 = arith.constant 0 : i32
    %c0_i32_0 = arith.constant 0 : i32
    %c0_i32_1 = arith.constant 0 : i32
    return %c0_i32, %c0_i32_0 : i32, i32
  }
  func.func @transform_2(%arg0: i32) -> (i32, i32) {
    %c0_i32 = arith.constant 0 : i32
    %c0_i32_0 = arith.constant 0 : i32
    %c0_i32_1 = arith.constant 0 : i32
    return %c0_i32, %c0_i32_0 : i32, i32
  }
  func.func @transform_3(%arg0: i32) -> (i32, i32) {
    %c0_i32 = arith.constant 0 : i32
    %c0_i32_0 = arith.constant 0 : i32
    return %arg0, %c0_i32 : i32, i32
  }
}

</mosaic_0001>

<sc_bundles>
// kernel: kernel.4.cloned.1.call-start
scs
__scs_entry_jumppad:
0x0: {  	(pc) =	sbr.rel $0x88, $3  }
0x1: {  	(tag) =	ssettag $0x0;
	lr =	simm.s32 $0x1  }
0x2: {  	[smem:$0x3F9D] =	sst lr;
	_ =	strace $0xD0000000  }
0x3: {  	_ = 	snop  }
0x4: {  	_ = 	snop  }
0x5: {  	_ = 	snop  }
0x6: {  	_ = 	snop  }
0x7: {  	_ = 	snop  }
__scs_overlays_trampoline_lowered:
0x8: {  	[smem:$0x3FAC] =	sst s0  }
0x9: {  	[smem:$0x3FAD] =	sst s1  }
0xa: {  	[smem:$0x3FAE] =	sst s2  }
0xb: {  	[smem:$0x3FAF] =	sst s3  }
0xc: {  	[smem:$0x3FB0] =	sst s4  }
0xd: {  	[smem:$0x3FB1] =	sst s5  }
0xe: {  	[smem:$0x3FB2] =	sst s6  }
0xf: {  	[smem:$0x3FB3] =	sst s7  }
0x10: {  	[smem:$0x3FB4] =	sst s8  }
0x11: {  	[smem:$0x3FB5] =	sst s9;
	s0 =	simm.s32 @!p0 $0x0  }
0x12: {  	s1 =	sld [smem:$0x3F9B];
	s0 =	simm.s32 @p0 $0x1  }
0x13: {  	[smem:$0x3FB6] =	sst s0;
	s0 =	simm.s32 @!p1 $0x0  }
0x14: {  	s2 =	sld [smem:$0x3F9A];
	s0 =	simm.s32 @p1 $0x1  }
0x15: {  	[smem:$0x3FB7] =	sst s0;
	s0 =	simm.s32 @!p2 $0x0  }
0x16: {  	s3 =	sld [smem:$0x3FDB];
	s0 =	simm.s32 @p2 $0x1  }
0x17: {  	s4 =	simm.s32 $0x1BF5;
	[smem:$0x3FB9] =	sst s0  }
0x18: {  	s0 =	sld [smem:$0x3F9C];
	_ =	swait.ge [sflag:s4], $0x0  }
0x19: {  	s7 =	sld [smem:$0x3F9D]  }
0x1a: {  	s8 =	sadd.s32 $0xFFFFE003, lr  }
0x1b: {  	s9 =	sadd.s32 $0xFFFFFEF7, lr;
	s5 =	simm.s32 $0xFFFFFFFF;
	p2 =	slt.u32 s8, $0xFFFFF086  }
0x1c: {  	p1 =	slt.u32 s9, $0xF7A;
	s5 =	simm.s32 @!p2 $0x0  }
0x1d: {  	s5 =	simm.s32 @p1 $0x1;
	p0 =	seq.s32 s7, s2  }
0x1e: {  	s7 =	smul.u32 @!p0 $0xF7A, s2;
	p2 =	seq.s32 @!p0 s5, $0x0  }
0x1f: {  	s9 =	smul.u32 $0xF7A, s1;
	s8 =	simm.s32 @!p0 $0x1BF5;
	p2 =	por !p2, p0  }
0x20: {  	[sflag:s8] =	ssyncset.s32 @!p0 $0xFFFFF086;
	s6 =	sadd.s32 @!p0 s3, s7;
	s7 =	simm.s32 @!p0 $0x108  }
0x21: {  	s3 =	sadd.s32 s3, s9;
	s6 =	sadd.s32 @!p0 $0x88, s6;
	s7 =	simm.s32 @p2 $0x1082  }
0x22: {  	[simem:s7], [sflag:s8] =	dma.local @!p0 [hbm:s6], $0xF7A  }
0x23: {  	s9 =	sor.u32 $0xD0000000, s2;
	s6 =	simm.s32 $0x108;
	_ =	swait.ge @!p0 [sflag:s8], $0x0  }
0x24: {  	s3 =	sadd.s32 $0x88, s3;
	s6 =	simm.s32 @!p1 $0x1082;
	[sflag:s4] =	ssyncset.s32 $0xFFFFF086  }
0x25: {  	[simem:s6], [sflag:s4] =	dma.local [hbm:s3], $0xF7A  }
0x26: {  	[smem:$0x3F9D] =	sst s1;
	(tag) =	ssettag s2;
	_ =	strace s9  }
0x27: {  	s1 =	sld [smem:$0x3FAD]  }
0x28: {  	s2 =	sld [smem:$0x3FAE]  }
0x29: {  	s4 =	sld [smem:$0x3FB0]  }
0x2a: {  	p0 =	seq.s32 s5, $0x0;
	s5 =	sld [smem:$0x3FB1]  }
0x2b: {  	s6 =	sld [smem:$0x3FB2]  }
0x2c: {  	s7 =	sld [smem:$0x3FB3]  }
0x2d: {  	s3 =	simm.s32 $0x108;
	s8 =	sld [smem:$0x3FB4]  }
0x2e: {  	s3 =	simm.s32 @!p0 $0x1082;
	s9 =	sld [smem:$0x3FB5]  }
0x2f: {  	lr =	sadd.s32 s0, s3;
	s0 =	sld [smem:$0x3FAC]  }
0x30: {  	s3 =	sld [smem:$0x3FAF]  }
0x31: {  	[smem:$0x3FB8] =	sst s10  }
0x32: {  	s10 =	sld [smem:$0x3FB6];
	_ =	sdelay $0x3  }
0x33: {  	p0 =	seq.s32 s10, $0x1;
	s10 =	sld [smem:$0x3FB8];
	_ =	sdelay $0x3  }
0x34: {  	[smem:$0x3FB8] =	sst s10  }
0x35: {  	s10 =	sld [smem:$0x3FB7];
	_ =	sdelay $0x3  }
0x36: {  	p1 =	seq.s32 s10, $0x1;
	s10 =	sld [smem:$0x3FB8];
	_ =	sdelay $0x3  }
0x37: {  	[smem:$0x3FB8] =	sst s10  }
0x38: {  	s10 =	sld [smem:$0x3FB9]  }
0x39: {  	_ = 	snop;
	(pc) =	sbr.ind lr, $3  }
0x3a: {  	_ = 	snop  }
0x3b: {  	_ = 	snop  }
0x3c: {  	p2 =	seq.s32 s10, $0x1;
	s10 =	sld [smem:$0x3FB8]  }
0x3d: {  	_ =	shalt  }
0x3e: {  	_ =	shalt  }
0x3f: {  	_ =	shalt  }
0x40: {  	_ =	shalt  }
0x41: {  	_ =	shalt  }
0x42: {  	_ =	shalt  }
0x43: {  	_ =	shalt  }
0x44: {  	_ =	shalt  }
0x45: {  	_ =	shalt  }
0x46: {  	_ =	shalt  }
0x47: {  	_ =	shalt  }
0x48: {  	_ =	shalt  }
0x49: {  	_ =	shalt  }
0x4a: {  	_ =	shalt  }
0x4b: {  	_ =	shalt  }
0x4c: {  	_ =	shalt  }
0x4d: {  	_ =	shalt  }
0x4e: {  	_ =	shalt  }
0x4f: {  	_ =	shalt  }
0x50: {  	_ =	shalt  }
0x51: {  	_ =	shalt  }
0x52: {  	_ =	shalt  }
0x53: {  	_ =	shalt  }
0x54: {  	_ =	shalt  }
0x55: {  	_ =	shalt  }
0x56: {  	_ =	shalt  }
0x57: {  	_ =	shalt  }
0x58: {  	_ =	shalt  }
0x59: {  	_ =	shalt  }
0x5a: {  	_ =	shalt  }
0x5b: {  	_ =	shalt  }
0x5c: {  	_ =	shalt  }
0x5d: {  	_ =	shalt  }
0x5e: {  	_ =	shalt  }
0x5f: {  	_ =	shalt  }
0x60: {  	_ =	shalt  }
0x61: {  	_ =	shalt  }
0x62: {  	_ =	shalt  }
0x63: {  	_ =	shalt  }
0x64: {  	_ =	shalt  }
0x65: {  	_ =	shalt  }
0x66: {  	_ =	shalt  }
0x67: {  	_ =	shalt  }
0x68: {  	_ =	shalt  }
0x69: {  	_ =	shalt  }
0x6a: {  	_ =	shalt  }
0x6b: {  	_ =	shalt  }
0x6c: {  	_ =	shalt  }
0x6d: {  	_ =	shalt  }
0x6e: {  	_ =	shalt  }
0x6f: {  	_ =	shalt  }
0x70: {  	_ =	shalt  }
0x71: {  	_ =	shalt  }
0x72: {  	_ =	shalt  }
0x73: {  	_ =	shalt  }
0x74: {  	_ =	shalt  }
0x75: {  	_ =	shalt  }
0x76: {  	_ =	shalt  }
0x77: {  	_ =	shalt  }
0x78: {  	_ =	shalt  }
0x79: {  	_ =	shalt  }
0x7a: {  	_ =	shalt  }
0x7b: {  	_ =	shalt  }
0x7c: {  	_ =	shalt  }
0x7d: {  	_ =	shalt  }
0x7e: {  	_ =	shalt  }
0x7f: {  	_ =	shalt  }
0x80: {  	_ =	shalt  }
0x81: {  	_ =	shalt  }
0x82: {  	_ =	shalt  }
0x83: {  	_ =	shalt  }
0x84: {  	_ =	shalt  }
0x85: {  	_ =	shalt  }
0x86: {  	_ =	shalt  }
0x87: {  	_ =	shalt  }
.Lfunc_end0:
.L_simem_size_0:
called_computation_lowered:
.L_overlay_start_0:
0x88: {  	s2 =	sld [smem:$0x3FD9]  }
0x89: {  	s3 =	sld [smem:$0x3FFE];
	_ =	sdelay $0x1  }
0x8a: {  	s1 =	srdreg.scid  }
0x8b: {  	s0 =	sand.u32 $0x1, s1  }
0x8c: {  	s17 =	sshll.u32 s0, $0xA;
	s2 =	sadd.s32 s3, s2  }
0x8d: {  	s2 =	sadd.s32 s2, s17  }
0x8e: {  	[smem:$0x3FC4] =	sst s2  }
0x8f: {  	_ = 	snop  }
0x90: {  	s2 =	sld [smem:$0x3FD0];
	(tm) =	ssettm $0x1  }
0x91: {  	s18 =	sld [smem:$0x3FFB];
	_ =	sdelay $0x3  }
0x92: {  	_ =	strace s18  }
0x93: {  	s3 =	sld [smem:$0x3FFC];
	_ =	sdelay $0x3  }
0x94: {  	_ =	strace s3  }
0x95: {  	s3 =	sld [smem:$0x3FFD];
	_ =	sdelay $0x3  }
0x96: {  	_ =	strace s3  }
0x97: {  	_ =	strace $0x8FFFFFFF  }
0x98: {  	s19 =	sld [smem:$0x3FDB];
	_ =	sdelay $0x1  }
0x99: {  	s4 =	simm.s32 $_scs_section_size  }
0x9a: {  	s5 =	simm.s32 $_size__tile_overlayer_lowered;
	s6 =	simm.s32 $_tile_overlayer_lowered  }
0x9b: {  	s22 =	simm.s32 $0x1BFF;
	s21 =	sshll.u32 s6, $0x1;
	s3 =	sadd.s32 s4, s19  }
0x9c: {  	s7 =	simm.s32 $0x0;
	s20 =	sshll.u32 s5, $0x1;
	s5 =	sadd.s32 s21, s3  }
0x9d: {  	[timem:s7], [sflag:s22] =	dma.local [hbm:s5], s20  }
0x9e: {  	_ =	swait.ge [sflag:s22], s20  }
0x9f: {  	s4 =	ssub.s32 $0x0, s20;
	[sflag:s22] =	ssyncset.done $0x0  }
0xa0: {  	[sflag:s22] =	ssyncadd.s32 s4;
	_ =	sdelay $0x1  }
0xa1: {  	s23 =	simm.s32 $0x1B8B  }
0xa2: {  	_ =	swait.ge [sflag:s23], $0x1  }
0xa3: {  	[sflag:s23] =	ssyncset.done $0x0  }
0xa4: {  	s25 =	simm.s32 $0x1B8E;
	s24 =	sld [smem:$0x3FFE];
	[sflag:s23] =	ssyncadd.s32 $0xFFFFFFFF  }
0xa5: {  	s26 =	simm.s32 $execute0_lowered;
	[smem:$0x3FD2] =	sst s25  }
0xa6: {  	s5 =	sshll.u32 s26, $0x1;
	_ =	strace $0x80000046;
	[dreg:$0x1] =	wrdreg $0xFFFFFFFF  }
0xa7: {  	s28 =	simm.s32 $_size_execute0_lowered;
	s3 =	sadd.s32 s3, s5;
	[dreg:$0x0] =	wrdreg $0x0  }
0xa8: {  	s5 =	sshll.u32 s28, $0x1;
	[dreg:$0x2] =	wrdreg s3  }
0xa9: {  	[dreg:$0x3] =	wrdreg s5  }
0xaa: {  	[dreg:$0x4] =	wrdreg $0xC0  }
0xab: {  	_ =	task [dreg:s7], $0x5FFFF  }
0xac: {  	[dreg:$0x1] =	wrdreg $0xFFFFFFFF  }
0xad: {  	[dreg:$0x0] =	wrdreg $0x60  }
0xae: {  	[dreg:$0x2] =	wrdreg s2  }
0xaf: {  	[dreg:$0x3] =	wrdreg s24  }
0xb0: {  	[dreg:$0x4] =	wrdreg $0x9  }
0xb1: {  	_ =	task.clear_ibuf [dreg:s7], $0x5FFFF;
	_ =	strace $0x90000046  }
0xb2: {  	s29 =	simm.s32 $0x9;
	_ =	strace $0x80000048  }
0xb3: {  	_ =	swait.ge [sflag:s29], $0x1  }
0xb4: {  	[sflag:s29] =	ssyncadd.s32 $0xFFFFFFFF  }
0xb5: {  	_ =	strace $0x90000048  }
0xb6: {  	_ =	sfence  }
0xb7: {  	s30 =	sld [smem:$0x0];
	_ =	sdelay $0x2  }
0xb8: {  	s31 =	sshll.u32 s1, $0xD;
	s1 =	sshrl.u32 s1, $0x2  }
0xb9: {  	s3 =	sand.u32 $0x4000, s31;
	s1 =	sadd.s32 s1, s30  }
0xba: {  	s0 =	sor.u32 s3, s0;
	s1 =	sshll.u32 s1, $0x11  }
0xbb: {  	s0 =	sor.u32 s1, s0  }
0xbc: {  	s0 =	sadd.s32 $0x8F2B, s0  }
0xbd: {  	[sflag:s0] =	ssyncadd.remote.s32 $0x1  }
0xbe: {  	_ =	sfence.sel $0xFFFF  }
0xbf: {  	[dreg:$0x0] =	wrdreg $0xFFFFFFFF;
	(pc) =	sbr.abs _section_cstart, $3  }
0xc0: {  	[dreg:$0x1] =	wrdreg $0xFFFFFFFF  }
0xc1: {  	_ =	task.clear_ibuf [dreg:s7], $0x2FFFF;
	_ =	strace $0x9FFFFFFF  }
0xc2: {  	(tm) =	ssettm $0x7FFFFFFF  }
0xc3: {  	_ =	shalt  }
tec
execute0_lowered:
.L_overlay_start_1:
0x0: {  	(tag) =	ssettag $0x1  }
0x1: {  	s2 =	rddreg [dreg:$0x0]  }
0x2: {  	s0 =	rddreg [dreg:$0x1]  }
0x3: {  	s1 =	srdreg.scid;
	s4 =	stileid.u32  }
0x4: {  	s3 =	simm.s32 $0x0;
	s18 =	simm.s32 $0x9;
	s19 =	simm.s32 $0x190  }
0x5: {  	s22 =	simm.s32 $0x4B0;
	s23 =	simm.s32 $0x2;
	s25 =	simm.s32 $0x3  }
0x6: {  	s28 =	simm.s32 $0x4;
	s29 =	simm.s32 $0x13240;
	s30 =	simm.s32 $0x5  }
0x7: {  	s31 =	simm.s32 $0x19640;
	s1 =	sand.u32 $0x1, s1;
	s4 =	sshll.u32 s4, $0x1  }
0x8: {  	[smem:$0x7FF] =	sst s3;
	s5 =	sadd.s32 $0xA00, s0;
	s16 =	sadd.s32 $0xA30, s0  }
0x9: {  	s8 =	sor.u32 s1, s4;
	_ =	strace $0x80000047;
	s1 =	ssub.s32 $0x2, s1  }
0xa: {  	s4 =	sadd.s32 $0xF42E00, s0;
	s7 =	smul.u32 $0x3200, s8;
	s6 =	sshrl.u32 s1, $0x1  }
0xb: {  	s0 =	simm.s32 $0x0;
	s1 =	ssub.s32 s1, s6;
	s6 =	sshll.u32 s8, $0x9  }
0xc: {  	s12 =	sshll.u32 s8, $0xC;
	s7 =	sadd.s32 s2, s7;
	s11 =	sor.u32 $0x8, s6  }
0xd: {  	s13 =	sor.u32 $0xA, s6;
	s14 =	sor.u32 $0xC, s6;
	s9 =	sadd.s32 $0x32, s7  }
0xe: {  	s15 =	sor.u32 $0xE, s6;
	s26 =	sadd.s32 $0x64, s7;
	[dreg:$0x3] =	wrdreg s9  }
0xf: {  	s17 =	smax.u32 s1, $0x1;
	s10 =	sadd.s32 $0x96, s7;
	[dreg:$0x4] =	wrdreg s26  }
.LBB2_1:
0x10: {  	[tilespmem:s3], [sflag:$0x9] =	stream.linear.gather [hbm4b:s7+s3], $0x190, $0x38;
	[tilespmem:$0x196C0] =	vst v63  }
0x11: {  	_ =	swait.ge [sflag:s18], $0x190  }
0x12: {  	[sflag:s18] =	ssyncset.done $0x0  }
0x13: {  	s1 =	simm.s32 $0x640;
	[sflag:s18] =	ssyncadd.s32 $0xFFFFFE70  }
0x14: {  	[tilespmem:s1], [sflag:$0x5] =	stream.indirect.gather [hbm4b:s4+s19], $0x40, s3, s19, $0xb8;
	[tilespmem:$0x196C0] =	vst v63  }
0x15: {  	s20 =	rddreg [dreg:$0x3]  }
0x16: {  	[tilespmem:s19], [sflag:$0x2] =	stream.linear.gather [hbm4b:s20+s3], $0x190, $0x38;
	[tilespmem:$0x196C0] =	vst v63  }
0x17: {  	s8 =	simm.s32 $0x320;
	s21 =	rddreg [dreg:$0x4]  }
0x18: {  	[tilespmem:s8], [sflag:$0x3] =	stream.linear.gather [hbm4b:s21+s3], $0x190, $0x38;
	[tilespmem:$0x196C0] =	vst v63  }
0x19: {  	_ = 	snop  }
0x1a: {  	[tilespmem:s22], [sflag:$0x4] =	stream.linear.gather [hbm4b:s10+s3], $0x190, $0x38;
	[tilespmem:$0x196C0] =	vst v63  }
0x1b: {  	_ =	swait.ge [sflag:s23], $0x190  }
0x1c: {  	[sflag:s23] =	ssyncset.done $0x0  }
0x1d: {  	s24 =	simm.s32 $0x6A40;
	[sflag:s23] =	ssyncadd.s32 $0xFFFFFE70  }
0x1e: {  	[tilespmem:s24], [sflag:$0x6] =	stream.indirect.gather [hbm4b:s4+s19], $0x40, s19, s19, $0xb8;
	[tilespmem:$0x196C0] =	vst v63  }
0x1f: {  	_ =	swait.ge [sflag:s25], $0x190  }
0x20: {  	[sflag:s25] =	ssyncset.done $0x0  }
0x21: {  	s26 =	simm.s32 $0xCE40;
	s1 =	simm.s32 $0x0;
	[sflag:s25] =	ssyncadd.s32 $0xFFFFFE70  }
0x22: {  	[tilespmem:s26], [sflag:$0x7] =	stream.indirect.gather [hbm4b:s4+s19], $0x40, s8, s19, $0xb8;
	[tilespmem:$0x196C0] =	vst v63  }
.LBB2_2:
0x23: {  	_ =	swait.ge [sflag:s28], $0x190;
	p0 =	seq.s32 s1, $0x3F  }
0x24: {  	[sflag:s28] =	ssyncset.done $0x0;
	s8 =	sshll.u32 @!p0 s1, $0x3  }
0x25: {  	[sflag:s28] =	ssyncadd.s32 $0xFFFFFE70;
	s8 =	sadd.s32 @!p0 s8, s11  }
0x26: {  	[tilespmem:s29], [sflag:$0x8] =	stream.indirect.gather [hbm4b:s4+s19], $0x40, s22, s19, $0xb8;
	[tilespmem:$0x196C0] =	vst v63  }
0x27: {  	s8 =	smul.u32 @!p0 $0x19, s8;
	_ =	swait.ge [sflag:s30], $0x6400  }
0x28: {  	s24 =	simm.s32 $0x0;
	[sflag:s30] =	ssyncset.done $0x0  }
0x29: {  	s20 =	simm.s32 @!p0 $0x0;
	s8 =	sadd.s32 @!p0 s2, s8;
	[sflag:s30] =	ssyncadd.s32 $0xFFFF9C00  }
0x2a: {  	[tilespmem:s20], [sflag:$0x1] =	stream.linear.gather @!p0 [hbm4b:s8+s20], $0x190, $0x38;
	[tilespmem:$0x196C0] =	vst v63  }
0x2b: {  	v2 =	vld [tilespmem:s24+$0x700]  }
0x2c: {  	v0 =	vld [tilespmem:s24+$0x710]  }
0x2d: {  	v1 =	vld [tilespmem:s24+$0x720]  }
0x2e: {  	v5 =	vld [tilespmem:s24+$0x6C0]  }
0x2f: {  	v3 =	vld [tilespmem:s24+$0x6D0]  }
0x30: {  	v4 =	vld [tilespmem:s24+$0x6E0]  }
0x31: {  	v12 =	vld [tilespmem:s24+$0x680]  }
0x32: {  	v6 =	vld [tilespmem:s24+$0x690]  }
0x33: {  	v15 =	vld [tilespmem:s24+$0x640]  }
0x34: {  	v8 =	vld [tilespmem:s24+$0x6A0]  }
0x35: {  	v7 =	vimm.f32 $-Inf;
	v13 =	vld [tilespmem:s24+$0x650]  }
0x36: {  	s21 =	simm.s32 $0x400;
	v11 =	vimm.f32 $-Inf;
	v10 =	vimm.f32 $-Inf;
	v9 =	vimm.f32 $-Inf;
	s20 =	sshll.u32 s1, $0x6;
	v14 =	vld [tilespmem:s24+$0x660]  }
.LBB2_3:
0x37: {  	p0 =	sne.s32 s21, $0xC400;
	v16 =	vld [tilespmem:s24+$0x670]  }
0x38: {  	v7 =	vmax.f32 v7, v15;
	v15 =	vld [tilespmem:s24+$0x6B0]  }
0x39: {  	v7 =	vmax.f32 v7, v12;
	v12 =	vld [tilespmem:s24+$0x6F0]  }
0x3a: {  	v5 =	vmax.f32 v7, v5;
	v17 =	vld [tilespmem:s24+$0x730];
	s24 =	sshra.s32 s21, $0x2  }
0x3b: {  	v7 =	vmax.f32 v5, v2;
	v2 =	vld [tilespmem:s24+$0x700]  }
0x3c: {  	v5 =	vmax.f32 v11, v13;
	v10 =	vmax.f32 v10, v14;
	v18 =	vld [tilespmem:s24+$0x710];
	v9 =	vmax.f32 v9, v16  }
0x3d: {  	v6 =	vmax.f32 v5, v6;
	v8 =	vmax.f32 v10, v8;
	v13 =	vld [tilespmem:s24+$0x720];
	v9 =	vmax.f32 v9, v15  }
0x3e: {  	v6 =	vmax.f32 v6, v3;
	v4 =	vmax.f32 v8, v4;
	v5 =	vld [tilespmem:s24+$0x6C0];
	v8 =	vmax.f32 v9, v12  }
0x3f: {  	v11 =	vmax.f32 v6, v0;
	v10 =	vmax.f32 v4, v1;
	v3 =	vld [tilespmem:s24+$0x6D0];
	v9 =	vmax.f32 v8, v17  }
0x40: {  	v4 =	vld [tilespmem:s24+$0x6E0]  }
0x41: {  	v12 =	vld [tilespmem:s24+$0x680];
	v0 =	vmov v18  }
.Ltmp0:
0x42: {  	v6 =	vld [tilespmem:s24+$0x690];
	v1 =	vmov v13;
	(pc) =	sbr.rel @p0 .LBB2_3-.Ltmp0, $4  }
0x43: {  	v15 =	vld [tilespmem:s24+$0x640]  }
0x44: {  	v8 =	vld [tilespmem:s24+$0x6A0]  }
0x45: {  	v13 =	vld [tilespmem:s24+$0x650]  }
0x46: {  	s21 =	sadd.s32 $0x400, s21;
	v14 =	vld [tilespmem:s24+$0x660]  }
0x47: {  	v16 =	vld [tilespmem:s24+$0x670]  }
0x48: {  	v7 =	vmax.f32 v7, v15;
	v15 =	vld [tilespmem:s24+$0x6B0]  }
0x49: {  	v7 =	vmax.f32 v7, v12;
	v12 =	vld [tilespmem:s24+$0x6F0]  }
0x4a: {  	v5 =	vmax.f32 v7, v5;
	v7 =	vld [tilespmem:s24+$0x730];
	v11 =	vmax.f32 v11, v13  }
0x4b: {  	v2 =	vmax.f32 v5, v2;
	v5 =	vmax.f32 v10, v14;
	v6 =	vmax.f32 v11, v6  }
0x4c: {  	v9 =	vmax.f32 v9, v16;
	v5 =	vmax.f32 v5, v8;
	v3 =	vmax.f32 v6, v3  }
0x4d: {  	[tilespmem:$0x19640] =	vst v2;
	v6 =	vmax.f32 v9, v15;
	v4 =	vmax.f32 v5, v4;
	v0 =	vmax.f32 v3, v0  }
0x4e: {  	v2 =	vmax.f32 v6, v12;
	v1 =	vmax.f32 v4, v1;
	[tilespmem:$0x19650] =	vst v0  }
0x4f: {  	v0 =	vmax.f32 v2, v7;
	[tilespmem:$0x19660] =	vst v1  }
0x50: {  	s24 =	simm.s32 $0x0;
	[tilespmem:$0x19670] =	vst v0  }
0x51: {  	v2 =	vld [tilespmem:s24+$0x3900]  }
0x52: {  	v0 =	vld [tilespmem:s24+$0x3910]  }
0x53: {  	v1 =	vld [tilespmem:s24+$0x3920]  }
0x54: {  	v5 =	vld [tilespmem:s24+$0x38C0]  }
0x55: {  	v3 =	vld [tilespmem:s24+$0x38D0]  }
0x56: {  	v4 =	vld [tilespmem:s24+$0x38E0]  }
0x57: {  	v12 =	vld [tilespmem:s24+$0x3880]  }
0x58: {  	v6 =	vld [tilespmem:s24+$0x3890]  }
0x59: {  	v15 =	vld [tilespmem:s24+$0x3840]  }
0x5a: {  	v9 =	vld [tilespmem:s24+$0x38A0]  }
0x5b: {  	v11 =	vimm.f32 $-Inf;
	v13 =	vld [tilespmem:s24+$0x3850]  }
0x5c: {  	s21 =	simm.s32 $0x400;
	v10 =	vimm.f32 $-Inf;
	v8 =	vimm.f32 $-Inf;
	v7 =	vimm.f32 $-Inf;
	v14 =	vld [tilespmem:s24+$0x3860]  }
.LBB2_5:
0x5d: {  	p0 =	sne.s32 s21, $0xC400;
	v16 =	vld [tilespmem:s24+$0x3870]  }
0x5e: {  	v7 =	vmax.f32 v7, v15;
	v15 =	vld [tilespmem:s24+$0x38B0]  }
0x5f: {  	v7 =	vmax.f32 v7, v12;
	v12 =	vld [tilespmem:s24+$0x38F0]  }
0x60: {  	v5 =	vmax.f32 v7, v5;
	v17 =	vld [tilespmem:s24+$0x3930];
	s24 =	sshra.s32 s21, $0x2  }
0x61: {  	v7 =	vmax.f32 v5, v2;
	v2 =	vld [tilespmem:s24+$0x3900]  }
0x62: {  	v5 =	vmax.f32 v11, v13;
	v10 =	vmax.f32 v10, v14;
	v18 =	vld [tilespmem:s24+$0x3910];
	v8 =	vmax.f32 v8, v16  }
0x63: {  	v6 =	vmax.f32 v5, v6;
	v9 =	vmax.f32 v10, v9;
	v13 =	vld [tilespmem:s24+$0x3920];
	v8 =	vmax.f32 v8, v15  }
0x64: {  	v6 =	vmax.f32 v6, v3;
	v4 =	vmax.f32 v9, v4;
	v5 =	vld [tilespmem:s24+$0x38C0];
	v8 =	vmax.f32 v8, v12  }
0x65: {  	v11 =	vmax.f32 v6, v0;
	v10 =	vmax.f32 v4, v1;
	v3 =	vld [tilespmem:s24+$0x38D0];
	v8 =	vmax.f32 v8, v17  }
0x66: {  	v4 =	vld [tilespmem:s24+$0x38E0]  }
0x67: {  	v12 =	vld [tilespmem:s24+$0x3880];
	v0 =	vmov v18  }
.Ltmp1:
0x68: {  	v6 =	vld [tilespmem:s24+$0x3890];
	v1 =	vmov v13;
	(pc) =	sbr.rel @p0 .LBB2_5-.Ltmp1, $4  }
0x69: {  	v15 =	vld [tilespmem:s24+$0x3840]  }
0x6a: {  	v9 =	vld [tilespmem:s24+$0x38A0]  }
0x6b: {  	v13 =	vld [tilespmem:s24+$0x3850]  }
0x6c: {  	s21 =	sadd.s32 $0x400, s21;
	v14 =	vld [tilespmem:s24+$0x3860]  }
0x6d: {  	v16 =	vld [tilespmem:s24+$0x3870]  }
0x6e: {  	v7 =	vmax.f32 v7, v15;
	v15 =	vld [tilespmem:s24+$0x38B0]  }
0x6f: {  	v7 =	vmax.f32 v7, v12;
	v12 =	vld [tilespmem:s24+$0x38F0]  }
0x70: {  	v5 =	vmax.f32 v7, v5;
	v7 =	vld [tilespmem:s24+$0x3930];
	v11 =	vmax.f32 v11, v13  }
0x71: {  	v2 =	vmax.f32 v5, v2;
	v5 =	vmax.f32 v10, v14;
	v6 =	vmax.f32 v11, v6  }
0x72: {  	v8 =	vmax.f32 v8, v16;
	v5 =	vmax.f32 v5, v9;
	v3 =	vmax.f32 v6, v3  }
0x73: {  	[tilespmem:$0x19680] =	vst v2;
	v6 =	vmax.f32 v8, v15;
	v4 =	vmax.f32 v5, v4;
	v0 =	vmax.f32 v3, v0  }
0x74: {  	v2 =	vmax.f32 v6, v12;
	v1 =	vmax.f32 v4, v1;
	[tilespmem:$0x19690] =	vst v0  }
0x75: {  	s20 =	sadd.s32 s12, s20;
	v0 =	vmax.f32 v2, v7;
	[tilespmem:$0x196A0] =	vst v1  }
0x76: {  	s8 =	sadd.s32 s5, s20;
	[tilespmem:$0x196B0] =	vst v0  }
0x77: {  	[hbm4b:s8+s3] =	stream.linear.scatter [tilespmem:s31], [sflag:$0x9], $0x80, $0x38;
	[tilespmem:$0x196C0] =	vst v63  }
0x78: {  	_ =	swait.ge [sflag:s18], $0x80  }
0x79: {  	p0 =	sne.s32 s1, $0x3F;
	[sflag:s18] =	ssyncset.done $0x0  }
0x7a: {  	s8 =	simm.s32 @p0 $0x1;
	[sflag:s18] =	ssyncadd.s32 $0xFFFFFF80  }
0x7b: {  	_ =	swait.ge @p0 [sflag:s8], $0x190  }
0x7c: {  	s21 =	simm.s32 @p0 $0x0;
	[sflag:s8] =	ssyncset.done @p0 $0x0  }
0x7d: {  	s24 =	simm.s32 @p0 $0x640;
	[sflag:s8] =	ssyncadd.s32 @p0 $0xFFFFFE70;
	s8 =	simm.s32 @p0 $0x190  }
0x7e: {  	[tilespmem:s24], [sflag:$0x5] =	stream.indirect.gather @p0 [hbm4b:s4+s8], $0x40, s21, s8, $0xb8;
	[tilespmem:$0x196C0] =	vst v63  }
0x7f: {  	s24 =	sshll.u32 @p0 s1, $0x3  }
0x80: {  	s26 =	simm.s32 @p0 $0x6;
	s24 =	sadd.s32 @p0 s24, s13  }
0x81: {  	_ =	swait.ge @p0 [sflag:s26], $0x6400;
	s24 =	smul.u32 @p0 $0x19, s24  }
0x82: {  	[sflag:s26] =	ssyncset.done @p0 $0x0  }
0x83: {  	[sflag:s26] =	ssyncadd.s32 @p0 $0xFFFF9C00;
	s24 =	sadd.s32 @p0 s2, s24  }
0x84: {  	[tilespmem:s8], [sflag:$0x2] =	stream.linear.gather @p0 [hbm4b:s24+s21], $0x190, $0x38;
	[tilespmem:$0x196C0] =	vst v63  }
0x85: {  	s8 =	simm.s32 @!p0 $0x6  }
0x86: {  	_ =	swait.ge @!p0 [sflag:s8], $0x6400  }
0x87: {  	[sflag:s8] =	ssyncset.done @!p0 $0x0  }
0x88: {  	s24 =	simm.s32 $0x0;
	[sflag:s8] =	ssyncadd.s32 @!p0 $0xFFFF9C00  }
0x89: {  	v2 =	vld [tilespmem:s24+$0x6B00]  }
0x8a: {  	v0 =	vld [tilespmem:s24+$0x6B10]  }
0x8b: {  	v1 =	vld [tilespmem:s24+$0x6B20]  }
0x8c: {  	v5 =	vld [tilespmem:s24+$0x6AC0]  }
0x8d: {  	v3 =	vld [tilespmem:s24+$0x6AD0]  }
0x8e: {  	v4 =	vld [tilespmem:s24+$0x6AE0]  }
0x8f: {  	v12 =	vld [tilespmem:s24+$0x6A80]  }
0x90: {  	v6 =	vld [tilespmem:s24+$0x6A90]  }
0x91: {  	v15 =	vld [tilespmem:s24+$0x6A40]  }
0x92: {  	v9 =	vld [tilespmem:s24+$0x6AA0]  }
0x93: {  	v11 =	vimm.f32 $-Inf;
	v13 =	vld [tilespmem:s24+$0x6A50]  }
0x94: {  	v10 =	vimm.f32 $-Inf;
	v8 =	vimm.f32 $-Inf;
	v7 =	vimm.f32 $-Inf;
	s21 =	simm.s32 $0x400;
	v14 =	vld [tilespmem:s24+$0x6A60]  }
.LBB2_7:
0x95: {  	p1 =	sne.s32 s21, $0xC400;
	v16 =	vld [tilespmem:s24+$0x6A70]  }
0x96: {  	v7 =	vmax.f32 v7, v15;
	v15 =	vld [tilespmem:s24+$0x6AB0]  }
0x97: {  	v7 =	vmax.f32 v7, v12;
	v12 =	vld [tilespmem:s24+$0x6AF0]  }
0x98: {  	v5 =	vmax.f32 v7, v5;
	v17 =	vld [tilespmem:s24+$0x6B30];
	s24 =	sshra.s32 s21, $0x2  }
0x99: {  	v7 =	vmax.f32 v5, v2;
	v2 =	vld [tilespmem:s24+$0x6B00]  }
0x9a: {  	v5 =	vmax.f32 v11, v13;
	v10 =	vmax.f32 v10, v14;
	v18 =	vld [tilespmem:s24+$0x6B10];
	v8 =	vmax.f32 v8, v16  }
0x9b: {  	v6 =	vmax.f32 v5, v6;
	v9 =	vmax.f32 v10, v9;
	v13 =	vld [tilespmem:s24+$0x6B20];
	v8 =	vmax.f32 v8, v15  }
0x9c: {  	v6 =	vmax.f32 v6, v3;
	v4 =	vmax.f32 v9, v4;
	v5 =	vld [tilespmem:s24+$0x6AC0];
	v8 =	vmax.f32 v8, v12  }
0x9d: {  	v11 =	vmax.f32 v6, v0;
	v10 =	vmax.f32 v4, v1;
	v3 =	vld [tilespmem:s24+$0x6AD0];
	v8 =	vmax.f32 v8, v17  }
0x9e: {  	v4 =	vld [tilespmem:s24+$0x6AE0]  }
0x9f: {  	v12 =	vld [tilespmem:s24+$0x6A80];
	v0 =	vmov v18  }
.Ltmp2:
0xa0: {  	v6 =	vld [tilespmem:s24+$0x6A90];
	v1 =	vmov v13;
	(pc) =	sbr.rel @p1 .LBB2_7-.Ltmp2, $4  }
0xa1: {  	v15 =	vld [tilespmem:s24+$0x6A40]  }
0xa2: {  	v9 =	vld [tilespmem:s24+$0x6AA0]  }
0xa3: {  	v13 =	vld [tilespmem:s24+$0x6A50]  }
0xa4: {  	s21 =	sadd.s32 $0x400, s21;
	v14 =	vld [tilespmem:s24+$0x6A60]  }
0xa5: {  	v16 =	vld [tilespmem:s24+$0x6A70]  }
0xa6: {  	v7 =	vmax.f32 v7, v15;
	v15 =	vld [tilespmem:s24+$0x6AB0]  }
0xa7: {  	v7 =	vmax.f32 v7, v12;
	v12 =	vld [tilespmem:s24+$0x6AF0]  }
0xa8: {  	v5 =	vmax.f32 v7, v5;
	v7 =	vld [tilespmem:s24+$0x6B30];
	v11 =	vmax.f32 v11, v13  }
0xa9: {  	v2 =	vmax.f32 v5, v2;
	v5 =	vmax.f32 v10, v14;
	v6 =	vmax.f32 v11, v6  }
0xaa: {  	v8 =	vmax.f32 v8, v16;
	v5 =	vmax.f32 v5, v9;
	v3 =	vmax.f32 v6, v3  }
0xab: {  	[tilespmem:$0x19640] =	vst v2;
	v6 =	vmax.f32 v8, v15;
	v4 =	vmax.f32 v5, v4;
	v0 =	vmax.f32 v3, v0  }
0xac: {  	v2 =	vmax.f32 v6, v12;
	v1 =	vmax.f32 v4, v1;
	[tilespmem:$0x19650] =	vst v0  }
0xad: {  	v0 =	vmax.f32 v2, v7;
	[tilespmem:$0x19660] =	vst v1  }
0xae: {  	s24 =	simm.s32 $0x0;
	[tilespmem:$0x19670] =	vst v0  }
0xaf: {  	v2 =	vld [tilespmem:s24+$0x9D00]  }
0xb0: {  	v1 =	vld [tilespmem:s24+$0x9D10]  }
0xb1: {  	v0 =	vld [tilespmem:s24+$0x9D20]  }
0xb2: {  	v5 =	vld [tilespmem:s24+$0x9CC0]  }
0xb3: {  	v3 =	vld [tilespmem:s24+$0x9CD0]  }
0xb4: {  	v4 =	vld [tilespmem:s24+$0x9CE0]  }
0xb5: {  	v12 =	vld [tilespmem:s24+$0x9C80]  }
0xb6: {  	v6 =	vld [tilespmem:s24+$0x9C90]  }
0xb7: {  	v15 =	vld [tilespmem:s24+$0x9C40]  }
0xb8: {  	v9 =	vld [tilespmem:s24+$0x9CA0]  }
0xb9: {  	v11 =	vimm.f32 $-Inf;
	v13 =	vld [tilespmem:s24+$0x9C50]  }
0xba: {  	s21 =	simm.s32 $0x400;
	v10 =	vimm.f32 $-Inf;
	v8 =	vimm.f32 $-Inf;
	v7 =	vimm.f32 $-Inf;
	v14 =	vld [tilespmem:s24+$0x9C60]  }
.LBB2_9:
0xbb: {  	p1 =	sne.s32 s21, $0xC400;
	v16 =	vld [tilespmem:s24+$0x9C70]  }
0xbc: {  	v7 =	vmax.f32 v7, v15;
	v15 =	vld [tilespmem:s24+$0x9CB0]  }
0xbd: {  	v7 =	vmax.f32 v7, v12;
	v12 =	vld [tilespmem:s24+$0x9CF0]  }
0xbe: {  	v5 =	vmax.f32 v7, v5;
	v17 =	vld [tilespmem:s24+$0x9D30];
	s24 =	sshra.s32 s21, $0x2  }
0xbf: {  	v7 =	vmax.f32 v5, v2;
	v2 =	vld [tilespmem:s24+$0x9D00]  }
0xc0: {  	v5 =	vmax.f32 v11, v13;
	v10 =	vmax.f32 v10, v14;
	v18 =	vld [tilespmem:s24+$0x9D10];
	v8 =	vmax.f32 v8, v16  }
0xc1: {  	v6 =	vmax.f32 v5, v6;
	v9 =	vmax.f32 v10, v9;
	v13 =	vld [tilespmem:s24+$0x9D20];
	v8 =	vmax.f32 v8, v15  }
0xc2: {  	v6 =	vmax.f32 v6, v3;
	v4 =	vmax.f32 v9, v4;
	v5 =	vld [tilespmem:s24+$0x9CC0];
	v8 =	vmax.f32 v8, v12  }
0xc3: {  	v11 =	vmax.f32 v6, v1;
	v10 =	vmax.f32 v4, v0;
	v3 =	vld [tilespmem:s24+$0x9CD0];
	v8 =	vmax.f32 v8, v17  }
0xc4: {  	v4 =	vld [tilespmem:s24+$0x9CE0]  }
0xc5: {  	v12 =	vld [tilespmem:s24+$0x9C80];
	v1 =	vmov v18  }
.Ltmp3:
0xc6: {  	v6 =	vld [tilespmem:s24+$0x9C90];
	v0 =	vmov v13;
	(pc) =	sbr.rel @p1 .LBB2_9-.Ltmp3, $4  }
0xc7: {  	v15 =	vld [tilespmem:s24+$0x9C40]  }
0xc8: {  	v9 =	vld [tilespmem:s24+$0x9CA0]  }
0xc9: {  	v13 =	vld [tilespmem:s24+$0x9C50]  }
0xca: {  	s21 =	sadd.s32 $0x400, s21;
	v14 =	vld [tilespmem:s24+$0x9C60]  }
0xcb: {  	v16 =	vld [tilespmem:s24+$0x9C70]  }
0xcc: {  	v7 =	vmax.f32 v7, v15;
	v15 =	vld [tilespmem:s24+$0x9CB0]  }
0xcd: {  	v7 =	vmax.f32 v7, v12;
	v12 =	vld [tilespmem:s24+$0x9CF0]  }
0xce: {  	v5 =	vmax.f32 v7, v5;
	v7 =	vld [tilespmem:s24+$0x9D30];
	v11 =	vmax.f32 v11, v13  }
0xcf: {  	s24 =	sshll.u32 s1, $0x3;
	v2 =	vmax.f32 v5, v2;
	v5 =	vmax.f32 v10, v14;
	v6 =	vmax.f32 v11, v6  }
0xd0: {  	s8 =	sadd.s32 s24, s6;
	v8 =	vmax.f32 v8, v16;
	v5 =	vmax.f32 v5, v9;
	v3 =	vmax.f32 v6, v3  }
0xd1: {  	s26 =	sshll.u32 s8, $0x3;
	[tilespmem:$0x19680] =	vst v2;
	v6 =	vmax.f32 v8, v15;
	v4 =	vmax.f32 v5, v4;
	v1 =	vmax.f32 v3, v1  }
0xd2: {  	s8 =	sadd.s32 $0x10, s26;
	v2 =	vmax.f32 v6, v12;
	v0 =	vmax.f32 v4, v0;
	[tilespmem:$0x19690] =	vst v1  }
0xd3: {  	s8 =	sand.u32 $0x1FFFFFD0, s8;
	v1 =	vmax.f32 v2, v7;
	[tilespmem:$0x196A0] =	vst v0  }
0xd4: {  	s8 =	sadd.s32 s5, s8;
	[tilespmem:$0x196B0] =	vst v1  }
0xd5: {  	[hbm4b:s8+s3] =	stream.linear.scatter [tilespmem:s31], [sflag:$0x9], $0x80, $0x38;
	[tilespmem:$0x196C0] =	vst v63  }
0xd6: {  	_ =	swait.ge [sflag:s18], $0x80  }
0xd7: {  	[sflag:s18] =	ssyncset.done $0x0  }
0xd8: {  	s8 =	simm.s32 @p0 $0x2;
	[sflag:s18] =	ssyncadd.s32 $0xFFFFFF80  }
0xd9: {  	_ =	swait.ge @p0 [sflag:s8], $0x190  }
0xda: {  	[sflag:s8] =	ssyncset.done @p0 $0x0  }
0xdb: {  	s21 =	simm.s32 @p0 $0x6A40;
	[sflag:s8] =	ssyncadd.s32 @p0 $0xFFFFFE70;
	s8 =	simm.s32 @p0 $0x190  }
0xdc: {  	[tilespmem:s21], [sflag:$0x6] =	stream.indirect.gather @p0 [hbm4b:s4+s8], $0x40, s8, s8, $0xb8;
	[tilespmem:$0x196C0] =	vst v63  }
0xdd: {  	s8 =	simm.s32 @p0 $0x7;
	s21 =	sadd.s32 @p0 s24, s14  }
0xde: {  	_ =	swait.ge @p0 [sflag:s8], $0x6400;
	s21 =	smul.u32 @p0 $0x19, s21  }
0xdf: {  	s9 =	simm.s32 @p0 $0x320;
	[sflag:s8] =	ssyncset.done @p0 $0x0  }
0xe0: {  	[sflag:s8] =	ssyncadd.s32 @p0 $0xFFFF9C00;
	s8 =	sadd.s32 @p0 s2, s21;
	s21 =	simm.s32 @p0 $0x0  }
0xe1: {  	[tilespmem:s9], [sflag:$0x3] =	stream.linear.gather @p0 [hbm4b:s8+s21], $0x190, $0x38;
	[tilespmem:$0x196C0] =	vst v63  }
0xe2: {  	s8 =	simm.s32 @!p0 $0x7  }
0xe3: {  	_ =	swait.ge @!p0 [sflag:s8], $0x6400  }
0xe4: {  	[sflag:s8] =	ssyncset.done @!p0 $0x0  }
0xe5: {  	s21 =	simm.s32 $0x0;
	[sflag:s8] =	ssyncadd.s32 @!p0 $0xFFFF9C00  }
0xe6: {  	v2 =	vld [tilespmem:s21+$0xCF00]  }
0xe7: {  	v0 =	vld [tilespmem:s21+$0xCF10]  }
0xe8: {  	v1 =	vld [tilespmem:s21+$0xCF20]  }
0xe9: {  	v5 =	vld [tilespmem:s21+$0xCEC0]  }
0xea: {  	v3 =	vld [tilespmem:s21+$0xCED0]  }
0xeb: {  	v4 =	vld [tilespmem:s21+$0xCEE0]  }
0xec: {  	v12 =	vld [tilespmem:s21+$0xCE80]  }
0xed: {  	v6 =	vld [tilespmem:s21+$0xCE90]  }
0xee: {  	v15 =	vld [tilespmem:s21+$0xCE40]  }
0xef: {  	v9 =	vld [tilespmem:s21+$0xCEA0]  }
0xf0: {  	v11 =	vimm.f32 $-Inf;
	v13 =	vld [tilespmem:s21+$0xCE50]  }
0xf1: {  	v10 =	vimm.f32 $-Inf;
	v8 =	vimm.f32 $-Inf;
	v7 =	vimm.f32 $-Inf;
	s8 =	simm.s32 $0x400;
	v14 =	vld [tilespmem:s21+$0xCE60]  }
.LBB2_11:
0xf2: {  	p1 =	sne.s32 s8, $0xC400;
	v16 =	vld [tilespmem:s21+$0xCE70]  }
0xf3: {  	v7 =	vmax.f32 v7, v15;
	v15 =	vld [tilespmem:s21+$0xCEB0]  }
0xf4: {  	v7 =	vmax.f32 v7, v12;
	v12 =	vld [tilespmem:s21+$0xCEF0]  }
0xf5: {  	v5 =	vmax.f32 v7, v5;
	v17 =	vld [tilespmem:s21+$0xCF30];
	s21 =	sshra.s32 s8, $0x2  }
0xf6: {  	v7 =	vmax.f32 v5, v2;
	v2 =	vld [tilespmem:s21+$0xCF00]  }
0xf7: {  	v5 =	vmax.f32 v11, v13;
	v10 =	vmax.f32 v10, v14;
	v18 =	vld [tilespmem:s21+$0xCF10];
	v8 =	vmax.f32 v8, v16  }
0xf8: {  	v6 =	vmax.f32 v5, v6;
	v9 =	vmax.f32 v10, v9;
	v13 =	vld [tilespmem:s21+$0xCF20];
	v8 =	vmax.f32 v8, v15  }
0xf9: {  	v6 =	vmax.f32 v6, v3;
	v4 =	vmax.f32 v9, v4;
	v5 =	vld [tilespmem:s21+$0xCEC0];
	v8 =	vmax.f32 v8, v12  }
0xfa: {  	v11 =	vmax.f32 v6, v0;
	v10 =	vmax.f32 v4, v1;
	v3 =	vld [tilespmem:s21+$0xCED0];
	v8 =	vmax.f32 v8, v17  }
0xfb: {  	v4 =	vld [tilespmem:s21+$0xCEE0]  }
0xfc: {  	v12 =	vld [tilespmem:s21+$0xCE80];
	v0 =	vmov v18  }
.Ltmp4:
0xfd: {  	v6 =	vld [tilespmem:s21+$0xCE90];
	v1 =	vmov v13;
	(pc) =	sbr.rel @p1 .LBB2_11-.Ltmp4, $4  }
0xfe: {  	v15 =	vld [tilespmem:s21+$0xCE40]  }
0xff: {  	v9 =	vld [tilespmem:s21+$0xCEA0]  }
0x100: {  	v13 =	vld [tilespmem:s21+$0xCE50]  }
0x101: {  	s8 =	sadd.s32 $0x400, s8;
	v14 =	vld [tilespmem:s21+$0xCE60]  }
0x102: {  	v16 =	vld [tilespmem:s21+$0xCE70]  }
0x103: {  	v7 =	vmax.f32 v7, v15;
	v15 =	vld [tilespmem:s21+$0xCEB0]  }
0x104: {  	v7 =	vmax.f32 v7, v12;
	v12 =	vld [tilespmem:s21+$0xCEF0]  }
0x105: {  	v5 =	vmax.f32 v7, v5;
	v7 =	vld [tilespmem:s21+$0xCF30];
	v11 =	vmax.f32 v11, v13  }
0x106: {  	v2 =	vmax.f32 v5, v2;
	v5 =	vmax.f32 v10, v14;
	v6 =	vmax.f32 v11, v6  }
0x107: {  	v8 =	vmax.f32 v8, v16;
	v5 =	vmax.f32 v5, v9;
	v3 =	vmax.f32 v6, v3  }
0x108: {  	[tilespmem:$0x19640] =	vst v2;
	v6 =	vmax.f32 v8, v15;
	v4 =	vmax.f32 v5, v4;
	v0 =	vmax.f32 v3, v0  }
0x109: {  	v2 =	vmax.f32 v6, v12;
	v1 =	vmax.f32 v4, v1;
	[tilespmem:$0x19650] =	vst v0  }
0x10a: {  	v0 =	vmax.f32 v2, v7;
	[tilespmem:$0x19660] =	vst v1  }
0x10b: {  	s21 =	simm.s32 $0x0;
	[tilespmem:$0x19670] =	vst v0  }
0x10c: {  	v2 =	vld [tilespmem:s21+$0x10100]  }
0x10d: {  	v0 =	vld [tilespmem:s21+$0x10110]  }
0x10e: {  	v1 =	vld [tilespmem:s21+$0x10120]  }
0x10f: {  	v5 =	vld [tilespmem:s21+$0x100C0]  }
0x110: {  	v3 =	vld [tilespmem:s21+$0x100D0]  }
0x111: {  	v4 =	vld [tilespmem:s21+$0x100E0]  }
0x112: {  	v12 =	vld [tilespmem:s21+$0x10080]  }
0x113: {  	v6 =	vld [tilespmem:s21+$0x10090]  }
0x114: {  	v15 =	vld [tilespmem:s21+$0x10040]  }
0x115: {  	v9 =	vld [tilespmem:s21+$0x100A0]  }
0x116: {  	v11 =	vimm.f32 $-Inf;
	v13 =	vld [tilespmem:s21+$0x10050]  }
0x117: {  	s8 =	simm.s32 $0x400;
	v10 =	vimm.f32 $-Inf;
	v8 =	vimm.f32 $-Inf;
	v7 =	vimm.f32 $-Inf;
	v14 =	vld [tilespmem:s21+$0x10060]  }
.LBB2_13:
0x118: {  	p1 =	sne.s32 s8, $0xC400;
	v16 =	vld [tilespmem:s21+$0x10070]  }
0x119: {  	v7 =	vmax.f32 v7, v15;
	v15 =	vld [tilespmem:s21+$0x100B0]  }
0x11a: {  	v7 =	vmax.f32 v7, v12;
	v12 =	vld [tilespmem:s21+$0x100F0]  }
0x11b: {  	v5 =	vmax.f32 v7, v5;
	v17 =	vld [tilespmem:s21+$0x10130];
	s21 =	sshra.s32 s8, $0x2  }
0x11c: {  	v7 =	vmax.f32 v5, v2;
	v2 =	vld [tilespmem:s21+$0x10100]  }
0x11d: {  	v5 =	vmax.f32 v11, v13;
	v10 =	vmax.f32 v10, v14;
	v18 =	vld [tilespmem:s21+$0x10110];
	v8 =	vmax.f32 v8, v16  }
0x11e: {  	v6 =	vmax.f32 v5, v6;
	v9 =	vmax.f32 v10, v9;
	v13 =	vld [tilespmem:s21+$0x10120];
	v8 =	vmax.f32 v8, v15  }
0x11f: {  	v6 =	vmax.f32 v6, v3;
	v4 =	vmax.f32 v9, v4;
	v5 =	vld [tilespmem:s21+$0x100C0];
	v8 =	vmax.f32 v8, v12  }
0x120: {  	v11 =	vmax.f32 v6, v0;
	v10 =	vmax.f32 v4, v1;
	v3 =	vld [tilespmem:s21+$0x100D0];
	v8 =	vmax.f32 v8, v17  }
0x121: {  	v4 =	vld [tilespmem:s21+$0x100E0]  }
0x122: {  	v12 =	vld [tilespmem:s21+$0x10080];
	v0 =	vmov v18  }
.Ltmp5:
0x123: {  	v6 =	vld [tilespmem:s21+$0x10090];
	v1 =	vmov v13;
	(pc) =	sbr.rel @p1 .LBB2_13-.Ltmp5, $4  }
0x124: {  	v15 =	vld [tilespmem:s21+$0x10040]  }
0x125: {  	v9 =	vld [tilespmem:s21+$0x100A0]  }
0x126: {  	v13 =	vld [tilespmem:s21+$0x10050]  }
0x127: {  	s8 =	sadd.s32 $0x400, s8;
	v14 =	vld [tilespmem:s21+$0x10060]  }
0x128: {  	v16 =	vld [tilespmem:s21+$0x10070]  }
0x129: {  	v7 =	vmax.f32 v7, v15;
	v15 =	vld [tilespmem:s21+$0x100B0]  }
0x12a: {  	v7 =	vmax.f32 v7, v12;
	v12 =	vld [tilespmem:s21+$0x100F0]  }
0x12b: {  	v5 =	vmax.f32 v7, v5;
	v7 =	vld [tilespmem:s21+$0x10130];
	v11 =	vmax.f32 v11, v13  }
0x12c: {  	v2 =	vmax.f32 v5, v2;
	v5 =	vmax.f32 v10, v14;
	v6 =	vmax.f32 v11, v6  }
0x12d: {  	v8 =	vmax.f32 v8, v16;
	v5 =	vmax.f32 v5, v9;
	v3 =	vmax.f32 v6, v3  }
0x12e: {  	[tilespmem:$0x19680] =	vst v2;
	v6 =	vmax.f32 v8, v15;
	v4 =	vmax.f32 v5, v4;
	v0 =	vmax.f32 v3, v0  }
0x12f: {  	s8 =	sadd.s32 $0x20, s26;
	v2 =	vmax.f32 v6, v12;
	v1 =	vmax.f32 v4, v1;
	[tilespmem:$0x19690] =	vst v0  }
0x130: {  	s8 =	sand.u32 $0x1FFFFFE0, s8;
	v0 =	vmax.f32 v2, v7;
	[tilespmem:$0x196A0] =	vst v1  }
0x131: {  	s8 =	sadd.s32 s5, s8;
	[tilespmem:$0x196B0] =	vst v0  }
0x132: {  	[hbm4b:s8+s3] =	stream.linear.scatter [tilespmem:s31], [sflag:$0x9], $0x80, $0x38;
	[tilespmem:$0x196C0] =	vst v63  }
0x133: {  	_ =	swait.ge [sflag:s18], $0x80  }
0x134: {  	[sflag:s18] =	ssyncset.done $0x0  }
0x135: {  	s8 =	simm.s32 @p0 $0x3;
	[sflag:s18] =	ssyncadd.s32 $0xFFFFFF80  }
0x136: {  	_ =	swait.ge @p0 [sflag:s8], $0x190  }
0x137: {  	s9 =	simm.s32 @p0 $0x320;
	[sflag:s8] =	ssyncset.done @p0 $0x0  }
0x138: {  	s21 =	simm.s32 @p0 $0xCE40;
	[sflag:s8] =	ssyncadd.s32 @p0 $0xFFFFFE70;
	s8 =	simm.s32 @p0 $0x190  }
0x139: {  	[tilespmem:s21], [sflag:$0x7] =	stream.indirect.gather @p0 [hbm4b:s4+s8], $0x40, s9, s8, $0xb8;
	[tilespmem:$0x196C0] =	vst v63  }
0x13a: {  	s8 =	simm.s32 @p0 $0x8;
	s9 =	sadd.s32 @p0 s24, s15  }
0x13b: {  	_ =	swait.ge @p0 [sflag:s8], $0x6400;
	s9 =	smul.u32 @p0 $0x19, s9  }
0x13c: {  	s21 =	simm.s32 @p0 $0x4B0;
	[sflag:s8] =	ssyncset.done @p0 $0x0  }
0x13d: {  	[sflag:s8] =	ssyncadd.s32 @p0 $0xFFFF9C00;
	s8 =	sadd.s32 @p0 s2, s9;
	s9 =	simm.s32 @p0 $0x0  }
0x13e: {  	[tilespmem:s21], [sflag:$0x4] =	stream.linear.gather @p0 [hbm4b:s8+s9], $0x190, $0x38;
	[tilespmem:$0x196C0] =	vst v63  }
0x13f: {  	s8 =	simm.s32 @!p0 $0x8  }
0x140: {  	_ =	swait.ge @!p0 [sflag:s8], $0x6400  }
0x141: {  	[sflag:s8] =	ssyncset.done @!p0 $0x0  }
0x142: {  	s21 =	simm.s32 $0x0;
	[sflag:s8] =	ssyncadd.s32 @!p0 $0xFFFF9C00  }
0x143: {  	v2 =	vld [tilespmem:s21+$0x13300]  }
0x144: {  	v0 =	vld [tilespmem:s21+$0x13310]  }
0x145: {  	v1 =	vld [tilespmem:s21+$0x13320]  }
0x146: {  	v5 =	vld [tilespmem:s21+$0x132C0]  }
0x147: {  	v3 =	vld [tilespmem:s21+$0x132D0]  }
0x148: {  	v4 =	vld [tilespmem:s21+$0x132E0]  }
0x149: {  	v12 =	vld [tilespmem:s21+$0x13280]  }
0x14a: {  	v6 =	vld [tilespmem:s21+$0x13290]  }
0x14b: {  	v15 =	vld [tilespmem:s21+$0x13240]  }
0x14c: {  	v9 =	vld [tilespmem:s21+$0x132A0]  }
0x14d: {  	v11 =	vimm.f32 $-Inf;
	v13 =	vld [tilespmem:s21+$0x13250]  }
0x14e: {  	v10 =	vimm.f32 $-Inf;
	v8 =	vimm.f32 $-Inf;
	v7 =	vimm.f32 $-Inf;
	s8 =	simm.s32 $0x400;
	v14 =	vld [tilespmem:s21+$0x13260]  }
.LBB2_15:
0x14f: {  	p0 =	sne.s32 s8, $0xC400;
	v16 =	vld [tilespmem:s21+$0x13270]  }
0x150: {  	v7 =	vmax.f32 v7, v15;
	v15 =	vld [tilespmem:s21+$0x132B0]  }
0x151: {  	v7 =	vmax.f32 v7, v12;
	v12 =	vld [tilespmem:s21+$0x132F0]  }
0x152: {  	v5 =	vmax.f32 v7, v5;
	v17 =	vld [tilespmem:s21+$0x13330];
	s21 =	sshra.s32 s8, $0x2  }
0x153: {  	v7 =	vmax.f32 v5, v2;
	v2 =	vld [tilespmem:s21+$0x13300]  }
0x154: {  	v5 =	vmax.f32 v11, v13;
	v10 =	vmax.f32 v10, v14;
	v18 =	vld [tilespmem:s21+$0x13310];
	v8 =	vmax.f32 v8, v16  }
0x155: {  	v6 =	vmax.f32 v5, v6;
	v9 =	vmax.f32 v10, v9;
	v13 =	vld [tilespmem:s21+$0x13320];
	v8 =	vmax.f32 v8, v15  }
0x156: {  	v6 =	vmax.f32 v6, v3;
	v4 =	vmax.f32 v9, v4;
	v5 =	vld [tilespmem:s21+$0x132C0];
	v8 =	vmax.f32 v8, v12  }
0x157: {  	v11 =	vmax.f32 v6, v0;
	v10 =	vmax.f32 v4, v1;
	v3 =	vld [tilespmem:s21+$0x132D0];
	v8 =	vmax.f32 v8, v17  }
0x158: {  	v4 =	vld [tilespmem:s21+$0x132E0]  }
0x159: {  	v12 =	vld [tilespmem:s21+$0x13280];
	v0 =	vmov v18  }
.Ltmp6:
0x15a: {  	v6 =	vld [tilespmem:s21+$0x13290];
	v1 =	vmov v13;
	(pc) =	sbr.rel @p0 .LBB2_15-.Ltmp6, $4  }
0x15b: {  	v15 =	vld [tilespmem:s21+$0x13240]  }
0x15c: {  	v9 =	vld [tilespmem:s21+$0x132A0]  }
0x15d: {  	v13 =	vld [tilespmem:s21+$0x13250]  }
0x15e: {  	s8 =	sadd.s32 $0x400, s8;
	v14 =	vld [tilespmem:s21+$0x13260]  }
0x15f: {  	v16 =	vld [tilespmem:s21+$0x13270]  }
0x160: {  	v7 =	vmax.f32 v7, v15;
	v15 =	vld [tilespmem:s21+$0x132B0]  }
0x161: {  	v7 =	vmax.f32 v7, v12;
	v12 =	vld [tilespmem:s21+$0x132F0]  }
0x162: {  	v5 =	vmax.f32 v7, v5;
	v7 =	vld [tilespmem:s21+$0x13330];
	v11 =	vmax.f32 v11, v13  }
0x163: {  	v2 =	vmax.f32 v5, v2;
	v5 =	vmax.f32 v10, v14;
	v6 =	vmax.f32 v11, v6  }
0x164: {  	v8 =	vmax.f32 v8, v16;
	v5 =	vmax.f32 v5, v9;
	v3 =	vmax.f32 v6, v3  }
0x165: {  	[tilespmem:$0x19640] =	vst v2;
	v6 =	vmax.f32 v8, v15;
	v4 =	vmax.f32 v5, v4;
	v0 =	vmax.f32 v3, v0  }
0x166: {  	v2 =	vmax.f32 v6, v12;
	v1 =	vmax.f32 v4, v1;
	[tilespmem:$0x19650] =	vst v0  }
0x167: {  	v0 =	vmax.f32 v2, v7;
	[tilespmem:$0x19660] =	vst v1  }
0x168: {  	s21 =	simm.s32 $0x0;
	[tilespmem:$0x19670] =	vst v0  }
0x169: {  	v2 =	vld [tilespmem:s21+$0x16500]  }
0x16a: {  	v0 =	vld [tilespmem:s21+$0x16510]  }
0x16b: {  	v1 =	vld [tilespmem:s21+$0x16520]  }
0x16c: {  	v5 =	vld [tilespmem:s21+$0x164C0]  }
0x16d: {  	v3 =	vld [tilespmem:s21+$0x164D0]  }
0x16e: {  	v4 =	vld [tilespmem:s21+$0x164E0]  }
0x16f: {  	v12 =	vld [tilespmem:s21+$0x16480]  }
0x170: {  	v6 =	vld [tilespmem:s21+$0x16490]  }
0x171: {  	v15 =	vld [tilespmem:s21+$0x16440]  }
0x172: {  	v9 =	vld [tilespmem:s21+$0x164A0]  }
0x173: {  	v11 =	vimm.f32 $-Inf;
	v13 =	vld [tilespmem:s21+$0x16450]  }
0x174: {  	s8 =	simm.s32 $0x400;
	v10 =	vimm.f32 $-Inf;
	v8 =	vimm.f32 $-Inf;
	v7 =	vimm.f32 $-Inf;
	v14 =	vld [tilespmem:s21+$0x16460]  }
.LBB2_17:
0x175: {  	p0 =	sne.s32 s8, $0xC400;
	v16 =	vld [tilespmem:s21+$0x16470]  }
0x176: {  	v7 =	vmax.f32 v7, v15;
	v15 =	vld [tilespmem:s21+$0x164B0]  }
0x177: {  	v7 =	vmax.f32 v7, v12;
	v12 =	vld [tilespmem:s21+$0x164F0]  }
0x178: {  	v5 =	vmax.f32 v7, v5;
	v17 =	vld [tilespmem:s21+$0x16530];
	s21 =	sshra.s32 s8, $0x2  }
0x179: {  	v7 =	vmax.f32 v5, v2;
	v2 =	vld [tilespmem:s21+$0x16500]  }
0x17a: {  	v5 =	vmax.f32 v11, v13;
	v10 =	vmax.f32 v10, v14;
	v18 =	vld [tilespmem:s21+$0x16510];
	v8 =	vmax.f32 v8, v16  }
0x17b: {  	v6 =	vmax.f32 v5, v6;
	v9 =	vmax.f32 v10, v9;
	v13 =	vld [tilespmem:s21+$0x16520];
	v8 =	vmax.f32 v8, v15  }
0x17c: {  	v6 =	vmax.f32 v6, v3;
	v4 =	vmax.f32 v9, v4;
	v5 =	vld [tilespmem:s21+$0x164C0];
	v8 =	vmax.f32 v8, v12  }
0x17d: {  	v11 =	vmax.f32 v6, v0;
	v10 =	vmax.f32 v4, v1;
	v3 =	vld [tilespmem:s21+$0x164D0];
	v8 =	vmax.f32 v8, v17  }
0x17e: {  	v4 =	vld [tilespmem:s21+$0x164E0]  }
0x17f: {  	v12 =	vld [tilespmem:s21+$0x16480];
	v0 =	vmov v18  }
.Ltmp7:
0x180: {  	v6 =	vld [tilespmem:s21+$0x16490];
	v1 =	vmov v13;
	(pc) =	sbr.rel @p0 .LBB2_17-.Ltmp7, $4  }
0x181: {  	v15 =	vld [tilespmem:s21+$0x16440]  }
0x182: {  	v9 =	vld [tilespmem:s21+$0x164A0]  }
0x183: {  	v13 =	vld [tilespmem:s21+$0x16450]  }
0x184: {  	s8 =	sadd.s32 $0x400, s8;
	v14 =	vld [tilespmem:s21+$0x16460]  }
0x185: {  	v16 =	vld [tilespmem:s21+$0x16470]  }
0x186: {  	v57 =	vld [tilespmem:s21+$0x164B0];
	v7 =	vmax.f32 v7, v15  }
0x187: {  	v58 =	vld [tilespmem:s21+$0x164F0];
	v7 =	vmax.f32 v7, v12  }
0x188: {  	v59 =	vld [tilespmem:s21+$0x16530];
	v5 =	vmax.f32 v7, v5;
	v11 =	vmax.f32 v11, v13  }
0x189: {  	v2 =	vmax.f32 v5, v2;
	v60 =	vmax.f32 v10, v14;
	v6 =	vmax.f32 v11, v6  }
0x18a: {  	v8 =	vmax.f32 v8, v16;
	v5 =	vmax.f32 v60, v9;
	v3 =	vmax.f32 v6, v3  }
0x18b: {  	[tilespmem:$0x19680] =	vst v2;
	v61 =	vmax.f32 v8, v57;
	v4 =	vmax.f32 v5, v4;
	v0 =	vmax.f32 v3, v0  }
0x18c: {  	s1 =	sadd.s32 $0x1, s1;
	v62 =	vmax.f32 v61, v58;
	v1 =	vmax.f32 v4, v1;
	[tilespmem:$0x19690] =	vst v0  }
0x18d: {  	p0 =	sne.s32 s1, $0x40;
	v63 =	vmax.f32 v62, v59;
	[tilespmem:$0x196A0] =	vst v1  }
.Ltmp8:
0x18e: {  	s8 =	sadd.s32 s20, s16;
	[tilespmem:$0x196B0] =	vst v63;
	(pc) =	sbr.rel @p0 .LBB2_2-.Ltmp8, $4  }
0x18f: {  	[hbm4b:s8+s3] =	stream.linear.scatter [tilespmem:s31], [sflag:$0x9], $0x80, $0x38;
	[tilespmem:$0x196C0] =	vst v63  }
0x190: {  	_ =	swait.ge [sflag:s18], $0x80  }
0x191: {  	[sflag:s18] =	ssyncset.done $0x0  }
0x192: {  	[sflag:s18] =	ssyncadd.s32 $0xFFFFFF80  }
0x193: {  	s0 =	sadd.s32 $0x1, s0  }
0x194: {  	p0 =	sne.s32 s0, s17  }
.Ltmp9:
0x195: {  	_ = 	snop;
	(pc) =	sbr.rel @p0 .LBB2_1-.Ltmp9, $1  }
0x196: {  	_ =	sdelay $0x3  }
0x197: {  	_ =	sfence.sel $0x180000  }
0x198: {  	[bflag:$0x0] =	sbarrier.arrive $0xFFFF  }
0x199: {  	_ =	strace $0x90000047  }
0x19a: {  	s0 =	stileid.u32;
	[bflag:$0x2] =	sbarrier.arrive $0xFFFF  }
0x19b: {  	p0 =	sne.s32 s0, $0x0;
	s0 =	rddreg [dreg:$0x2]  }
0x19c: {  	s0 =	sadd.s32 @!p0 $0x100000, s0  }
0x19d: {  	[sflag:s0] =	ssyncadd.tile.s32 @!p0 $0x1;
	_ =	shalt  }
.Lfunc_end2:
_tile_overlayer_lowered:
.L_overlay_start_2:
0x19e: {  	(tag) =	ssettag $0x2  }
0x19f: {  	s0 =	rddreg [dreg:$0x0];
	s2 =	stileid.u32  }
0x1a0: {  	s1 =	rddreg [dreg:$0x1];
	p0 =	sne.s32 s2, $0x0  }
0x1a1: {  	s3 =	rddreg [dreg:$0x2];
	[bflag:$0x3] =	sbarrier.arrive $0xFFFF;
	s2 =	simm.s32 @!p0 $0x1C09  }
0x1a2: {  	[timem:s3], [sflag:s2] =	dma.local @!p0 [hbm:s0], s1  }
0x1a3: {  	s0 =	simm.s32 @!p0 $0x9  }
0x1a4: {  	_ =	swait.ge @!p0 [sflag:s0], s1  }
0x1a5: {  	s1 =	ssub.s32 @!p0 $0x0, s1;
	[sflag:s0] =	ssyncset.done @!p0 $0x0  }
0x1a6: {  	[sflag:s0] =	ssyncadd.s32 @!p0 s1  }
0x1a7: {  	[bflag:$0x3] =	sbarrier.arrive $0xFFFF  }
0x1a8: {  	_ =	shalt  }

</sc_bundles>
